<compile_context>
chip_gen: v7x
topology: tpu7x:2x2x1
jax: 0.10.2.dev20260603
libtpu: 0.0.44.dev20260713+nightly
codegen_flags: <defaults>
</compile_context>

<pallas_src>
import jax
import jax.numpy as jnp
from jax import lax
from jax.experimental import pallas as pl
from jax.experimental.pallas import tpu as pltpu
from jax.experimental.pallas import tpu_sc as plsc

_NW = 32
_WPI = 4
_LANES = 16
_CH = 85

_LEVELS = (
    (19200, 80, 80, 400, 34000),
    (4800, 40, 40, 400, 34000),
    (1200, 20, 20, 300, 25504),
)


def _sc_body(p0_hbm, p1_hbm, p2_hbm, gt_hbm, lvl_hbm, out_hbm,
             buf_v, gt_v, lvl_v, acc_v):
    w = lax.axis_index("s") * 2 + lax.axis_index("c")
    b = w // _WPI
    q = w % _WPI

    pltpu.sync_copy(gt_hbm.at[b], gt_v)
    pltpu.sync_copy(lvl_hbm, lvl_v)

    g = gt_v[...]
    gx1 = g[0]
    gy1 = g[1]
    gx2 = g[2]
    gy2 = g[3]
    area_g = g[4]
    th = g[5]

    acc_v[...] = jnp.zeros((_LANES,), jnp.float32)
    lane = lax.iota(jnp.int32, _LANES)

    for i, (ncl, nx, ny, kc, kw) in enumerate(_LEVELS):
        p_hbm = (p0_hbm, p1_hbm, p2_hbm)[i]
        span = ncl // _WPI
        nchunks = span // kc
        ngroups = (kc + _LANES - 1) // _LANES
        tail = kc % _LANES != 0
        lv = lvl_v[i, :]
        s = lv[0]
        aw = (lv[1], lv[3], lv[5])
        ah = (lv[2], lv[4], lv[6])
        c0w = q * span

        def chunk_body(j, _, p_hbm=p_hbm, kc=kc, kw=kw, ngroups=ngroups,
                       tail=tail, nx=nx, ny=ny, s=s, aw=aw, ah=ah, c0w=c0w,
                       ncl=ncl):
            cst = c0w + j * kc
            word0 = (b * ncl + cst) * _CH
            start8 = pl.multiple_of(word0 & ~7, 8)
            delta = word0 - start8
            pltpu.sync_copy(p_hbm.at[pl.ds(start8, kw)],
                            buf_v.at[pl.ds(0, kw)])

            def group_body(gi, _):
                r = gi * _LANES + lane
                if tail:
                    valid = r < kc
                    r = jnp.minimum(r, kc - 1)
                base = delta + r * _CH
                ch = [plsc.load_gather(buf_v, [base + k]) for k in range(6)]
                sx, sy, sw, sh, so, sc = [1.0 / (1.0 + jnp.exp(-c))
                                          for c in ch]

                cf = (cst + r).astype(jnp.float32)
                q1 = (cf * (1.0 / nx)).astype(jnp.int32)
                a = (q1.astype(jnp.float32) * (1.0 / ny)).astype(jnp.int32)
                gx = cf - q1.astype(jnp.float32) * float(nx)
                gy = (q1 - a * ny).astype(jnp.float32)

                a1 = a == 1
                a2 = a == 2
                aws = jnp.where(a2, aw[2], jnp.where(a1, aw[1], aw[0]))
                ahs = jnp.where(a2, ah[2], jnp.where(a1, ah[1], ah[0]))

                xc = (sx * 2.0 - 0.5 + gx) * s
                yc = (sy * 2.0 - 0.5 + gy) * s
                hw = sw * sw * (2.0 * aws)
                hh = sh * sh * (2.0 * ahs)

                ix1 = jnp.maximum(xc - hw, gx1)
                iy1 = jnp.maximum(yc - hh, gy1)
                ix2 = jnp.minimum(xc + hw, gx2)
                iy2 = jnp.minimum(yc + hh, gy2)
                inter = (jnp.maximum(ix2 - ix1, 0.0)
                         * jnp.maximum(iy2 - iy1, 0.0))
                area_b = (hw + hw) * (hh + hh)
                iou = inter / (area_b + area_g - inter)

                keep = iou >= th
                if tail:
                    keep = jnp.logical_and(keep, valid)
                val = jnp.where(keep, so * sc, 0.0)
                acc_v[...] = jnp.maximum(acc_v[...], val)
                return 0

            lax.fori_loop(0, ngroups, group_body, 0)
            return 0

        lax.fori_loop(0, nchunks, chunk_body, 0)

    pltpu.sync_copy(acc_v, out_hbm.at[w])


def kernel(p0, p1, p2, gt, anchors, strides, iou_thresh):
    bs = p0.shape[0]
    ps = [p.reshape(-1) for p in (p0, p1, p2)]

    area_g = (gt[:, 2] - gt[:, 0]) * (gt[:, 3] - gt[:, 1])
    gt_pad = jnp.concatenate([
        gt, area_g[:, None],
        jnp.broadcast_to(jnp.asarray(iou_thresh, jnp.float32), (bs, 1)),
        jnp.zeros((bs, 10), jnp.float32)], axis=1)

    anchor_s = (anchors * strides[:, None, None]).reshape(3, 6)
    lvl = jnp.concatenate([strides[:, None], anchor_s,
                           jnp.zeros((3, 9), jnp.float32)], axis=1)

    mesh = plsc.VectorSubcoreMesh(core_axis_name="c", subcore_axis_name="s")
    run = pl.kernel(
        _sc_body, mesh=mesh,
        compiler_params=pltpu.CompilerParams(needs_layout_passes=False),
        out_type=jax.ShapeDtypeStruct((_NW, _LANES), jnp.float32),
        scratch_types=[
            pltpu.VMEM((34000,), jnp.float32),
            pltpu.VMEM((_LANES,), jnp.float32),
            pltpu.VMEM((3, _LANES), jnp.float32),
            pltpu.VMEM((_LANES,), jnp.float32),
        ],
    )
    part = run(ps[0], ps[1], ps[2], gt_pad, lvl)

    det = jnp.max(part.reshape(bs, _WPI * _LANES), axis=1)
    return det.mean(), det

# --- scband reference (transcript-rebuilt; emitter-appended) ---
"""Pipeline reference for scband-yolov5-max-prob-extractor-82523501626080 (READ-ONLY COPY).

The authoritative reference and input builder live on the scoring server;
editing this copy changes nothing except your own understanding.
"""

import jax, jax.numpy as jnp
import numpy as np

CLS_ID = 0


def _decode(p, anchors_i, stride):
    bs, na, ny, nx, _ = p.shape
    ps = jax.nn.sigmoid(p)
    yv, xv = jnp.meshgrid(jnp.arange(ny), jnp.arange(nx), indexing='ij')
    grid = jnp.stack((xv, yv), axis=2).reshape(1, 1, ny, nx, 2).astype(jnp.float32)
    anchor_grid = (anchors_i * stride).reshape(1, na, 1, 1, 2)
    xy = (ps[..., 0:2] * 2.0 - 0.5 + grid) * stride
    wh = (ps[..., 2:4] * 2.0) ** 2 * anchor_grid
    bbox = jnp.concatenate([xy - wh / 2.0, xy + wh / 2.0], axis=-1).reshape(bs, -1, 4)
    scores = (ps[..., 4] * ps[..., 5 + CLS_ID]).reshape(bs, -1)
    return bbox, scores


def setup_inputs(seed=0):
    key = jax.random.key(seed)
    k0, k1, k2, kg = jax.random.split(key, 4)
    p0 = jax.random.normal(k0, (8, 3, 80, 80, 85), dtype=jnp.float32)
    p1 = jax.random.normal(k1, (8, 3, 40, 40, 85), dtype=jnp.float32)
    p2 = jax.random.normal(k2, (8, 3, 20, 20, 85), dtype=jnp.float32)
    base = jnp.array([160.0, 160.0, 480.0, 480.0], dtype=jnp.float32)
    jitter = (jax.random.uniform(kg, (8, 4), dtype=jnp.float32) - 0.5) * 40.0
    gt = base[None, :] + jitter
    strides = jnp.array([8.0, 16.0, 32.0], dtype=jnp.float32)
    raw = jnp.array([[[10, 13], [16, 30], [33, 23]],
                     [[30, 61], [62, 45], [59, 119]],
                     [[116, 90], [156, 198], [373, 326]]], dtype=jnp.float32)
    anchors = raw / strides[:, None, None]
    return {"p0": p0, "p1": p1, "p2": p2, "gt": gt, "anchors": anchors, "strides": strides,
            "iou_thresh": jnp.float32(0.1)}


def reference(p0, p1, p2, gt, anchors, strides, iou_thresh=0.1):
    # loss_type = 'max_conf'
    boxes_l, scores_l = [], []
    for i, p in enumerate((p0, p1, p2)):
        b, s = _decode(p, anchors[i], strides[i])
        boxes_l.append(b)
        scores_l.append(s)
    boxes = jnp.concatenate(boxes_l, axis=1)   # [bs, N, 4]
    scores = jnp.concatenate(scores_l, axis=1)  # [bs, N]
    # torch code detaches boxes before box_iou
    bb = jax.lax.stop_gradient(boxes)
    g = gt[:, None, :]
    ix1 = jnp.maximum(bb[..., 0], g[..., 0])
    iy1 = jnp.maximum(bb[..., 1], g[..., 1])
    ix2 = jnp.minimum(bb[..., 2], g[..., 2])
    iy2 = jnp.minimum(bb[..., 3], g[..., 3])
    inter = jnp.clip(ix2 - ix1, 0.0) * jnp.clip(iy2 - iy1, 0.0)
    area_b = (bb[..., 2] - bb[..., 0]) * (bb[..., 3] - bb[..., 1])
    area_g = (g[..., 2] - g[..., 0]) * (g[..., 3] - g[..., 1])
    iou = inter / (area_b + area_g - inter)
    mask = iou >= iou_thresh
    # masked max over detections; scores are >= 0, so 0 matches the empty-mask zero branch
    det_loss = jnp.max(jnp.where(mask, scores, 0.0), axis=1)
    final_det_loss = det_loss.mean()
    final_max_probs = det_loss
    return final_det_loss, final_max_probs

if __name__ == "__main__":
    import jax
    _d = setup_inputs()
    print(jax.jit(kernel)(*tuple(_d.values())))

</pallas_src>

<mosaic_0001>
#map = affine_map<(d0, d1) -> (0)>
#map1 = affine_map<(d0, d1) -> (0, 0)>
module attributes {stable_mosaic.version = 14 : i64} {
  func.func @_sc_body(%arg0: i32, %arg1: i32, %arg2: memref<13056000xf32, #tpu.memory_space<hbm>>, %arg3: memref<3264000xf32, #tpu.memory_space<hbm>>, %arg4: memref<816000xf32, #tpu.memory_space<hbm>>, %arg5: memref<8x16xf32, #tpu.memory_space<hbm>>, %arg6: memref<3x16xf32, #tpu.memory_space<hbm>>, %arg7: memref<32x16xf32, #tpu.memory_space<hbm>>, %arg8: memref<34000xf32, #tpu.memory_space<vmem>>, %arg9: memref<16xf32, #tpu.memory_space<vmem>>, %arg10: memref<3x16xf32, #tpu.memory_space<vmem>>, %arg11: memref<16xf32, #tpu.memory_space<vmem>>) attributes {dimension_semantics = [#tpu.dimension_semantics<core_parallel>, #tpu.dimension_semantics<subcore_parallel>], iteration_bounds = array<i64: 2, 16>, scalar_prefetch = 0 : i64, scratch_operands = 4 : i64, tpu.core_type = #tpu.core_type<sc_vector_subcore>, window_params = [{transform_indices = #map}, {transform_indices = #map}, {transform_indices = #map}, {transform_indices = #map1}, {transform_indices = #map1}, {transform_indices = #map1}]} {
    %mul3A = arith.constant 2 : i32
    %mul3A_0 = arith.muli %arg1, %mul3A : i32
    %add3A = arith.addi %mul3A_0, %arg0 : i32
    %jit3A = arith.constant 4 : i32
    %div3A = arith.divsi %add3A, %jit3A : i32
    %sign3A = arith.constant 0 : i32
    %sign3A_1 = arith.cmpi sgt, %add3A, %sign3A : i32
    %sign3A_2 = arith.extui %sign3A_1 : i1 to i32
    %sign3A_3 = arith.constant 0 : i32
    %sign3A_4 = arith.cmpi slt, %add3A, %sign3A_3 : i32
    %sign3A_5 = arith.extui %sign3A_4 : i1 to i32
    %sign3A_6 = arith.subi %sign3A_2, %sign3A_5 : i32
    %sign3A_7 = arith.constant 0 : i32
    %sign3A_8 = arith.cmpi sgt, %jit3A, %sign3A_7 : i32
    %sign3A_9 = arith.extui %sign3A_8 : i1 to i32
    %sign3A_10 = arith.constant 0 : i32
    %sign3A_11 = arith.cmpi slt, %jit3A, %sign3A_10 : i32
    %sign3A_12 = arith.extui %sign3A_11 : i1 to i32
    %sign3A_13 = arith.subi %sign3A_9, %sign3A_12 : i32
    %ne3A = arith.cmpi ne, %sign3A_6, %sign3A_13 : i32
    %rem3A = arith.remsi %add3A, %jit3A : i32
    %ne3A_14 = arith.constant 0 : i32
    %ne3A_15 = arith.cmpi ne, %rem3A, %ne3A_14 : i32
    %and3A = arith.andi %ne3A, %ne3A_15 : i1
    %sub3A = arith.constant 1 : i32
    %sub3A_16 = arith.subi %div3A, %sub3A : i32
    %select_n3A = arith.select %and3A, %sub3A_16, %div3A : i32
    %jit3A_17 = arith.constant 4 : i32
    %eq3A = arith.constant 0 : i32
    %eq3A_18 = arith.cmpi eq, %jit3A_17, %eq3A : i32
    %jit3A_19 = arith.constant 1 : i32
    %select_n3A_20 = arith.select %eq3A_18, %jit3A_19, %jit3A_17 : i32
    %rem3A_21 = arith.remsi %add3A, %select_n3A_20 : i32
    %ne3A_22 = arith.constant 0 : i32
    %ne3A_23 = arith.cmpi ne, %rem3A_21, %ne3A_22 : i32
    %lt3A = arith.constant 0 : i32
    %lt3A_24 = arith.cmpi slt, %rem3A_21, %lt3A : i32
    %lt3A_25 = arith.constant 0 : i32
    %lt3A_26 = arith.cmpi slt, %select_n3A_20, %lt3A_25 : i32
    %ne3A_27 = arith.xori %lt3A_24, %lt3A_26 : i1
    %and3A_28 = arith.andi %ne3A_27, %ne3A_23 : i1
    %add3A_29 = arith.addi %rem3A_21, %select_n3A_20 : i32
    %select_n3A_30 = arith.select %and3A_28, %add3A_29, %rem3A_21 : i32
    "tpu.region"() ({
      %run_scoped3A = tpu.sem_alloc : memref<!tpu.dma_semaphore, #tpu.memory_space<semaphore_mem>>
      %dma_start3A = arith.constant 0 : i32
      %dma_start3A_139 = tpu.memref_slice %arg5[%select_n3A, %dma_start3A] : memref<8x16xf32, #tpu.memory_space<hbm>> -> memref<1x16xf32, #tpu.memory_space<hbm>>
      %dma_start3A_140 = tpu.memref_squeeze %dma_start3A_139 : memref<1x16xf32, #tpu.memory_space<hbm>> -> memref<16xf32, #tpu.memory_space<hbm>>
      %dma_start3A_141 = arith.constant 0 : i32
      %dma_start3A_142 = tpu.memref_slice %arg5[%select_n3A, %dma_start3A_141] : memref<8x16xf32, #tpu.memory_space<hbm>> -> memref<1x16xf32, #tpu.memory_space<hbm>>
      %dma_start3A_143 = tpu.memref_squeeze %dma_start3A_142 : memref<1x16xf32, #tpu.memory_space<hbm>> -> memref<16xf32, #tpu.memory_space<hbm>>
      tpu.enqueue_dma source(%dma_start3A_143 : memref<16xf32, #tpu.memory_space<hbm>>) target(%arg9 : memref<16xf32, #tpu.memory_space<vmem>>) target_semaphore(%run_scoped3A : memref<!tpu.dma_semaphore, #tpu.memory_space<semaphore_mem>>)
      %dma_wait3A = arith.constant 0 : i32
      %dma_wait3A_144 = tpu.memref_slice %arg5[%select_n3A, %dma_wait3A] : memref<8x16xf32, #tpu.memory_space<hbm>> -> memref<1x16xf32, #tpu.memory_space<hbm>>
      %dma_wait3A_145 = tpu.memref_squeeze %dma_wait3A_144 : memref<1x16xf32, #tpu.memory_space<hbm>> -> memref<16xf32, #tpu.memory_space<hbm>>
      %dma_wait3A_146 = arith.constant 0 : i32
      %dma_wait3A_147 = tpu.memref_slice %arg5[%select_n3A, %dma_wait3A_146] : memref<8x16xf32, #tpu.memory_space<hbm>> -> memref<1x16xf32, #tpu.memory_space<hbm>>
      %dma_wait3A_148 = tpu.memref_squeeze %dma_wait3A_147 : memref<1x16xf32, #tpu.memory_space<hbm>> -> memref<16xf32, #tpu.memory_space<hbm>>
      tpu.wait_dma2 semaphore(%run_scoped3A : memref<!tpu.dma_semaphore, #tpu.memory_space<semaphore_mem>>) src(%dma_wait3A_148 : memref<16xf32, #tpu.memory_space<hbm>>) dst(%arg9 : memref<16xf32, #tpu.memory_space<vmem>>)
      tpu.yield
    }) : () -> ()
    "tpu.region"() ({
      %run_scoped3A = tpu.sem_alloc : memref<!tpu.dma_semaphore, #tpu.memory_space<semaphore_mem>>
      tpu.enqueue_dma source(%arg6 : memref<3x16xf32, #tpu.memory_space<hbm>>) target(%arg10 : memref<3x16xf32, #tpu.memory_space<vmem>>) target_semaphore(%run_scoped3A : memref<!tpu.dma_semaphore, #tpu.memory_space<semaphore_mem>>)
      tpu.wait_dma2 semaphore(%run_scoped3A : memref<!tpu.dma_semaphore, #tpu.memory_space<semaphore_mem>>) src(%arg6 : memref<3x16xf32, #tpu.memory_space<hbm>>) dst(%arg10 : memref<3x16xf32, #tpu.memory_space<vmem>>)
      tpu.yield
    }) : () -> ()
    %get3A = arith.constant 0 : index
    %get3A_31 = tpu.vector_load %arg9[%get3A] {strides = array<i32>} : memref<16xf32, #tpu.memory_space<vmem>>, vector<16xf32>,
    %slice3A = vector.extract_strided_slice %get3A_31 {offsets = [0], sizes = [1], strides = [1]} : vector<16xf32> to vector<1xf32>
    %squeeze3A = vector.extract %slice3A[0] : f32 from vector<1xf32>
    %slice3A_32 = vector.extract_strided_slice %get3A_31 {offsets = [1], sizes = [1], strides = [1]} : vector<16xf32> to vector<1xf32>
    %squeeze3A_33 = vector.extract %slice3A_32[0] : f32 from vector<1xf32>
    %slice3A_34 = vector.extract_strided_slice %get3A_31 {offsets = [2], sizes = [1], strides = [1]} : vector<16xf32> to vector<1xf32>
    %squeeze3A_35 = vector.extract %slice3A_34[0] : f32 from vector<1xf32>
    %slice3A_36 = vector.extract_strided_slice %get3A_31 {offsets = [3], sizes = [1], strides = [1]} : vector<16xf32> to vector<1xf32>
    %squeeze3A_37 = vector.extract %slice3A_36[0] : f32 from vector<1xf32>
    %slice3A_38 = vector.extract_strided_slice %get3A_31 {offsets = [4], sizes = [1], strides = [1]} : vector<16xf32> to vector<1xf32>
    %squeeze3A_39 = vector.extract %slice3A_38[0] : f32 from vector<1xf32>
    %slice3A_40 = vector.extract_strided_slice %get3A_31 {offsets = [5], sizes = [1], strides = [1]} : vector<16xf32> to vector<1xf32>
    %squeeze3A_41 = vector.extract %slice3A_40[0] : f32 from vector<1xf32>
    %broadcast_in_dim3A = arith.constant 0.000000e+00 : f32
    %broadcast_in_dim3A_42 = vector.broadcast %broadcast_in_dim3A : f32 to vector<16xf32>
    %swap3A = arith.constant 0 : index
    %swap3A_43 = tpu.vector_load %arg11[%swap3A] {strides = array<i32>} : memref<16xf32, #tpu.memory_space<vmem>>, vector<16xf32>,
    tpu.vector_store %arg11[%swap3A], %broadcast_in_dim3A_42 {strides = array<i32>} : memref<16xf32, #tpu.memory_space<vmem>>, vector<16xf32>,
    %iota3A = tpu.iota {dimensions = array<i32: 0>} : vector<16xi32>
    %get3A_44 = arith.constant 0 : i32
    %get3A_45 = arith.index_cast %get3A_44 : i32 to index
    %get3A_46 = arith.constant 0 : index
    %get3A_47 = tpu.vector_load %arg10[%get3A_45, %get3A_46] {strides = array<i32>} : memref<3x16xf32, #tpu.memory_space<vmem>>, vector<16xf32>,
    %slice3A_48 = vector.extract_strided_slice %get3A_47 {offsets = [0], sizes = [1], strides = [1]} : vector<16xf32> to vector<1xf32>
    %squeeze3A_49 = vector.extract %slice3A_48[0] : f32 from vector<1xf32>
    %slice3A_50 = vector.extract_strided_slice %get3A_47 {offsets = [1], sizes = [1], strides = [1]} : vector<16xf32> to vector<1xf32>
    %squeeze3A_51 = vector.extract %slice3A_50[0] : f32 from vector<1xf32>
    %slice3A_52 = vector.extract_strided_slice %get3A_47 {offsets = [3], sizes = [1], strides = [1]} : vector<16xf32> to vector<1xf32>
    %squeeze3A_53 = vector.extract %slice3A_52[0] : f32 from vector<1xf32>
    %slice3A_54 = vector.extract_strided_slice %get3A_47 {offsets = [5], sizes = [1], strides = [1]} : vector<16xf32> to vector<1xf32>
    %squeeze3A_55 = vector.extract %slice3A_54[0] : f32 from vector<1xf32>
    %slice3A_56 = vector.extract_strided_slice %get3A_47 {offsets = [2], sizes = [1], strides = [1]} : vector<16xf32> to vector<1xf32>
    %squeeze3A_57 = vector.extract %slice3A_56[0] : f32 from vector<1xf32>
    %slice3A_58 = vector.extract_strided_slice %get3A_47 {offsets = [4], sizes = [1], strides = [1]} : vector<16xf32> to vector<1xf32>
    %squeeze3A_59 = vector.extract %slice3A_58[0] : f32 from vector<1xf32>
    %slice3A_60 = vector.extract_strided_slice %get3A_47 {offsets = [6], sizes = [1], strides = [1]} : vector<16xf32> to vector<1xf32>
    %squeeze3A_61 = vector.extract %slice3A_60[0] : f32 from vector<1xf32>
    %mul3A_62 = arith.constant 4800 : i32
    %mul3A_63 = arith.muli %select_n3A_30, %mul3A_62 : i32
    %scan3A = arith.constant 0 : i32
    %scan3A_64 = arith.constant 0 : i32
    %scan3A_65 = arith.constant 12 : i32
    %scan3A_66 = arith.addi %scan3A_64, %scan3A_65 : i32
    %scan3A_67 = arith.constant 1 : i32
    %scan3A_68 = scf.for %scan3A_139 = %scan3A_64 to %scan3A_66 step %scan3A_67 iter_args(%scan3A_140 = %scan3A) -> (i32)  : i32 {
      %mul3A_141 = arith.constant 400 : i32
      %mul3A_142 = arith.muli %scan3A_139, %mul3A_141 : i32
      %add3A_143 = arith.addi %mul3A_63, %mul3A_142 : i32
      %mul3A_144 = arith.constant 19200 : i32
      %mul3A_145 = arith.muli %select_n3A, %mul3A_144 : i32
      %add3A_146 = arith.addi %mul3A_145, %add3A_143 : i32
      %mul3A_147 = arith.constant 85 : i32
      %mul3A_148 = arith.muli %add3A_146, %mul3A_147 : i32
      %and3A_149 = arith.constant -8 : i32
      %and3A_150 = arith.andi %mul3A_148, %and3A_149 : i32
      %multiple_of3A_151 = tpu.assume_multiple %and3A_150, 8 : i32
      %sub3A_152 = arith.subi %mul3A_148, %multiple_of3A_151 : i32
      "tpu.region"() ({
        %run_scoped3A = tpu.sem_alloc : memref<!tpu.dma_semaphore, #tpu.memory_space<semaphore_mem>>
        %dma_start3A = arith.constant 0 : i32
        %dma_start3A_161 = tpu.memref_slice %arg8[%dma_start3A] : memref<34000xf32, #tpu.memory_space<vmem>> -> memref<34000xf32, #tpu.memory_space<vmem>>
        %dma_start3A_162 = tpu.memref_slice %arg2[%multiple_of3A_151] : memref<13056000xf32, #tpu.memory_space<hbm>> -> memref<34000xf32, #tpu.memory_space<hbm>>
        %dma_start3A_163 = arith.constant 0 : i32
        %dma_start3A_164 = tpu.memref_slice %arg8[%dma_start3A_163] : memref<34000xf32, #tpu.memory_space<vmem>> -> memref<34000xf32, #tpu.memory_space<vmem>>
        %dma_start3A_165 = tpu.memref_slice %arg2[%multiple_of3A_151] : memref<13056000xf32, #tpu.memory_space<hbm>> -> memref<34000xf32, #tpu.memory_space<hbm>>
        tpu.enqueue_dma source(%dma_start3A_165 : memref<34000xf32, #tpu.memory_space<hbm>>) target(%dma_start3A_164 : memref<34000xf32, #tpu.memory_space<vmem>>) target_semaphore(%run_scoped3A : memref<!tpu.dma_semaphore, #tpu.memory_space<semaphore_mem>>)
        %dma_wait3A = arith.constant 0 : i32
        %dma_wait3A_166 = tpu.memref_slice %arg8[%dma_wait3A] : memref<34000xf32, #tpu.memory_space<vmem>> -> memref<34000xf32, #tpu.memory_space<vmem>>
        %dma_wait3A_167 = tpu.memref_slice %arg2[%multiple_of3A_151] : memref<13056000xf32, #tpu.memory_space<hbm>> -> memref<34000xf32, #tpu.memory_space<hbm>>
        %dma_wait3A_168 = arith.constant 0 : i32
        %dma_wait3A_169 = tpu.memref_slice %arg8[%dma_wait3A_168] : memref<34000xf32, #tpu.memory_space<vmem>> -> memref<34000xf32, #tpu.memory_space<vmem>>
        %dma_wait3A_170 = tpu.memref_slice %arg2[%multiple_of3A_151] : memref<13056000xf32, #tpu.memory_space<hbm>> -> memref<34000xf32, #tpu.memory_space<hbm>>
        tpu.wait_dma2 semaphore(%run_scoped3A : memref<!tpu.dma_semaphore, #tpu.memory_space<semaphore_mem>>) src(%dma_wait3A_170 : memref<34000xf32, #tpu.memory_space<hbm>>) dst(%dma_wait3A_169 : memref<34000xf32, #tpu.memory_space<vmem>>)
        tpu.yield
      }) : () -> ()
      %scan3A_153 = arith.constant 0 : i32
      %scan3A_154 = arith.constant 0 : i32
      %scan3A_155 = arith.constant 25 : i32
      %scan3A_156 = arith.addi %scan3A_154, %scan3A_155 : i32
      %scan3A_157 = arith.constant 1 : i32
      %scan3A_158 = scf.for %scan3A_161 = %scan3A_154 to %scan3A_156 step %scan3A_157 iter_args(%scan3A_162 = %scan3A_153) -> (i32)  : i32 {
        %mul3A_163 = arith.constant 16 : i32
        %mul3A_164 = arith.muli %scan3A_161, %mul3A_163 : i32
        %add3A_165 = vector.broadcast %mul3A_164 : i32 to vector<16xi32>
        %add3A_166 = arith.addi %add3A_165, %iota3A : vector<16xi32>
        %mul3A_167 = arith.constant 85 : i32
        %mul3A_168 = vector.broadcast %mul3A_167 : i32 to vector<16xi32>
        %mul3A_169 = arith.muli %add3A_166, %mul3A_168 : vector<16xi32>
        %add3A_170 = vector.broadcast %sub3A_152 : i32 to vector<16xi32>
        %add3A_171 = arith.addi %add3A_170, %mul3A_169 : vector<16xi32>
        %add3A_172 = arith.constant 0 : i32
        %add3A_173 = vector.broadcast %add3A_172 : i32 to vector<16xi32>
        %add3A_174 = arith.addi %add3A_171, %add3A_173 : vector<16xi32>
        %gather3A = tpu.vector_load_idx %arg8[%add3A_174] : memref<34000xf32, #tpu.memory_space<vmem>>[vector<16xi32>], vector<16xf32>,
        %add3A_175 = arith.constant 1 : i32
        %add3A_176 = vector.broadcast %add3A_175 : i32 to vector<16xi32>
        %add3A_177 = arith.addi %add3A_171, %add3A_176 : vector<16xi32>
        %gather3A_178 = tpu.vector_load_idx %arg8[%add3A_177] : memref<34000xf32, #tpu.memory_space<vmem>>[vector<16xi32>], vector<16xf32>,
        %add3A_179 = arith.constant 2 : i32
        %add3A_180 = vector.broadcast %add3A_179 : i32 to vector<16xi32>
        %add3A_181 = arith.addi %add3A_171, %add3A_180 : vector<16xi32>
        %gather3A_182 = tpu.vector_load_idx %arg8[%add3A_181] : memref<34000xf32, #tpu.memory_space<vmem>>[vector<16xi32>], vector<16xf32>,
        %add3A_183 = arith.constant 3 : i32
        %add3A_184 = vector.broadcast %add3A_183 : i32 to vector<16xi32>
        %add3A_185 = arith.addi %add3A_171, %add3A_184 : vector<16xi32>
        %gather3A_186 = tpu.vector_load_idx %arg8[%add3A_185] : memref<34000xf32, #tpu.memory_space<vmem>>[vector<16xi32>], vector<16xf32>,
        %add3A_187 = arith.constant 4 : i32
        %add3A_188 = vector.broadcast %add3A_187 : i32 to vector<16xi32>
        %add3A_189 = arith.addi %add3A_171, %add3A_188 : vector<16xi32>
        %gather3A_190 = tpu.vector_load_idx %arg8[%add3A_189] : memref<34000xf32, #tpu.memory_space<vmem>>[vector<16xi32>], vector<16xf32>,
        %add3A_191 = arith.constant 5 : i32
        %add3A_192 = vector.broadcast %add3A_191 : i32 to vector<16xi32>
        %add3A_193 = arith.addi %add3A_171, %add3A_192 : vector<16xi32>
        %gather3A_194 = tpu.vector_load_idx %arg8[%add3A_193] : memref<34000xf32, #tpu.memory_space<vmem>>[vector<16xi32>], vector<16xf32>,
        %neg3A = arith.constant 0.000000e+00 : f32
        %neg3A_195 = vector.broadcast %neg3A : f32 to vector<16xf32>
        %neg3A_196 = arith.subf %neg3A_195, %gather3A : vector<16xf32>
        %exp3A = math.exp %neg3A_196 : vector<16xf32>
        %add3A_197 = arith.constant 1.000000e+00 : f32
        %add3A_198 = vector.broadcast %add3A_197 : f32 to vector<16xf32>
        %add3A_199 = arith.addf %add3A_198, %exp3A : vector<16xf32>
        %div3A_200 = arith.constant 1.000000e+00 : f32
        %div3A_201 = vector.broadcast %div3A_200 : f32 to vector<16xf32>
        %div3A_202 = arith.divf %div3A_201, %add3A_199 : vector<16xf32>
        %neg3A_203 = arith.constant 0.000000e+00 : f32
        %neg3A_204 = vector.broadcast %neg3A_203 : f32 to vector<16xf32>
        %neg3A_205 = arith.subf %neg3A_204, %gather3A_178 : vector<16xf32>
        %exp3A_206 = math.exp %neg3A_205 : vector<16xf32>
        %add3A_207 = arith.constant 1.000000e+00 : f32
        %add3A_208 = vector.broadcast %add3A_207 : f32 to vector<16xf32>
        %add3A_209 = arith.addf %add3A_208, %exp3A_206 : vector<16xf32>
        %div3A_210 = arith.constant 1.000000e+00 : f32
        %div3A_211 = vector.broadcast %div3A_210 : f32 to vector<16xf32>
        %div3A_212 = arith.divf %div3A_211, %add3A_209 : vector<16xf32>
        %neg3A_213 = arith.constant 0.000000e+00 : f32
        %neg3A_214 = vector.broadcast %neg3A_213 : f32 to vector<16xf32>
        %neg3A_215 = arith.subf %neg3A_214, %gather3A_182 : vector<16xf32>
        %exp3A_216 = math.exp %neg3A_215 : vector<16xf32>
        %add3A_217 = arith.constant 1.000000e+00 : f32
        %add3A_218 = vector.broadcast %add3A_217 : f32 to vector<16xf32>
        %add3A_219 = arith.addf %add3A_218, %exp3A_216 : vector<16xf32>
        %div3A_220 = arith.constant 1.000000e+00 : f32
        %div3A_221 = vector.broadcast %div3A_220 : f32 to vector<16xf32>
        %div3A_222 = arith.divf %div3A_221, %add3A_219 : vector<16xf32>
        %neg3A_223 = arith.constant 0.000000e+00 : f32
        %neg3A_224 = vector.broadcast %neg3A_223 : f32 to vector<16xf32>
        %neg3A_225 = arith.subf %neg3A_224, %gather3A_186 : vector<16xf32>
        %exp3A_226 = math.exp %neg3A_225 : vector<16xf32>
        %add3A_227 = arith.constant 1.000000e+00 : f32
        %add3A_228 = vector.broadcast %add3A_227 : f32 to vector<16xf32>
        %add3A_229 = arith.addf %add3A_228, %exp3A_226 : vector<16xf32>
        %div3A_230 = arith.constant 1.000000e+00 : f32
        %div3A_231 = vector.broadcast %div3A_230 : f32 to vector<16xf32>
        %div3A_232 = arith.divf %div3A_231, %add3A_229 : vector<16xf32>
        %neg3A_233 = arith.constant 0.000000e+00 : f32
        %neg3A_234 = vector.broadcast %neg3A_233 : f32 to vector<16xf32>
        %neg3A_235 = arith.subf %neg3A_234, %gather3A_190 : vector<16xf32>
        %exp3A_236 = math.exp %neg3A_235 : vector<16xf32>
        %add3A_237 = arith.constant 1.000000e+00 : f32
        %add3A_238 = vector.broadcast %add3A_237 : f32 to vector<16xf32>
        %add3A_239 = arith.addf %add3A_238, %exp3A_236 : vector<16xf32>
        %div3A_240 = arith.constant 1.000000e+00 : f32
        %div3A_241 = vector.broadcast %div3A_240 : f32 to vector<16xf32>
        %div3A_242 = arith.divf %div3A_241, %add3A_239 : vector<16xf32>
        %neg3A_243 = arith.constant 0.000000e+00 : f32
        %neg3A_244 = vector.broadcast %neg3A_243 : f32 to vector<16xf32>
        %neg3A_245 = arith.subf %neg3A_244, %gather3A_194 : vector<16xf32>
        %exp3A_246 = math.exp %neg3A_245 : vector<16xf32>
        %add3A_247 = arith.constant 1.000000e+00 : f32
        %add3A_248 = vector.broadcast %add3A_247 : f32 to vector<16xf32>
        %add3A_249 = arith.addf %add3A_248, %exp3A_246 : vector<16xf32>
        %div3A_250 = arith.constant 1.000000e+00 : f32
        %div3A_251 = vector.broadcast %div3A_250 : f32 to vector<16xf32>
        %div3A_252 = arith.divf %div3A_251, %add3A_249 : vector<16xf32>
        %add3A_253 = vector.broadcast %add3A_143 : i32 to vector<16xi32>
        %add3A_254 = arith.addi %add3A_253, %add3A_166 : vector<16xi32>
        %convert_element_type3A = arith.sitofp %add3A_254 : vector<16xi32> to vector<16xf32>
        %mul3A_255 = arith.constant 1.250000e-02 : f32
        %mul3A_256 = vector.broadcast %mul3A_255 : f32 to vector<16xf32>
        %mul3A_257 = arith.mulf %convert_element_type3A, %mul3A_256 : vector<16xf32>
        %convert_element_type3A_258 = arith.fptosi %mul3A_257 : vector<16xf32> to vector<16xi32>
        %convert_element_type3A_259 = arith.sitofp %convert_element_type3A_258 : vector<16xi32> to vector<16xf32>
        %mul3A_260 = arith.constant 1.250000e-02 : f32
        %mul3A_261 = vector.broadcast %mul3A_260 : f32 to vector<16xf32>
        %mul3A_262 = arith.mulf %convert_element_type3A_259, %mul3A_261 : vector<16xf32>
        %convert_element_type3A_263 = arith.fptosi %mul3A_262 : vector<16xf32> to vector<16xi32>
        %convert_element_type3A_264 = arith.sitofp %convert_element_type3A_258 : vector<16xi32> to vector<16xf32>
        %mul3A_265 = arith.constant 8.000000e+01 : f32
        %mul3A_266 = vector.broadcast %mul3A_265 : f32 to vector<16xf32>
        %mul3A_267 = arith.mulf %convert_element_type3A_264, %mul3A_266 : vector<16xf32>
        %sub3A_268 = arith.subf %convert_element_type3A, %mul3A_267 : vector<16xf32>
        %mul3A_269 = arith.constant 80 : i32
        %mul3A_270 = vector.broadcast %mul3A_269 : i32 to vector<16xi32>
        %mul3A_271 = arith.muli %convert_element_type3A_263, %mul3A_270 : vector<16xi32>
        %sub3A_272 = arith.subi %convert_element_type3A_258, %mul3A_271 : vector<16xi32>
        %convert_element_type3A_273 = arith.sitofp %sub3A_272 : vector<16xi32> to vector<16xf32>
        %eq3A_274 = arith.constant 1 : i32
        %eq3A_275 = vector.broadcast %eq3A_274 : i32 to vector<16xi32>
        %eq3A_276 = arith.cmpi eq, %convert_element_type3A_263, %eq3A_275 : vector<16xi32>
        %eq3A_277 = arith.constant 2 : i32
        %eq3A_278 = vector.broadcast %eq3A_277 : i32 to vector<16xi32>
        %eq3A_279 = arith.cmpi eq, %convert_element_type3A_263, %eq3A_278 : vector<16xi32>
        %broadcast_in_dim3A_280 = vector.broadcast %squeeze3A_53 : f32 to vector<16xf32>
        %broadcast_in_dim3A_281 = vector.broadcast %squeeze3A_51 : f32 to vector<16xf32>
        %select_n3A_282 = arith.select %eq3A_276, %broadcast_in_dim3A_280, %broadcast_in_dim3A_281 : vector<16xi1>, vector<16xf32>
        %broadcast_in_dim3A_283 = vector.broadcast %squeeze3A_55 : f32 to vector<16xf32>
        %select_n3A_284 = arith.select %eq3A_279, %broadcast_in_dim3A_283, %select_n3A_282 : vector<16xi1>, vector<16xf32>
        %broadcast_in_dim3A_285 = vector.broadcast %squeeze3A_59 : f32 to vector<16xf32>
        %broadcast_in_dim3A_286 = vector.broadcast %squeeze3A_57 : f32 to vector<16xf32>
        %select_n3A_287 = arith.select %eq3A_276, %broadcast_in_dim3A_285, %broadcast_in_dim3A_286 : vector<16xi1>, vector<16xf32>
        %broadcast_in_dim3A_288 = vector.broadcast %squeeze3A_61 : f32 to vector<16xf32>
        %select_n3A_289 = arith.select %eq3A_279, %broadcast_in_dim3A_288, %select_n3A_287 : vector<16xi1>, vector<16xf32>
        %mul3A_290 = arith.constant 2.000000e+00 : f32
        %mul3A_291 = vector.broadcast %mul3A_290 : f32 to vector<16xf32>
        %mul3A_292 = arith.mulf %div3A_202, %mul3A_291 : vector<16xf32>
        %sub3A_293 = arith.constant 5.000000e-01 : f32
        %sub3A_294 = vector.broadcast %sub3A_293 : f32 to vector<16xf32>
        %sub3A_295 = arith.subf %mul3A_292, %sub3A_294 : vector<16xf32>
        %add3A_296 = arith.addf %sub3A_295, %sub3A_268 : vector<16xf32>
        %mul3A_297 = vector.broadcast %squeeze3A_49 : f32 to vector<16xf32>
        %mul3A_298 = arith.mulf %add3A_296, %mul3A_297 : vector<16xf32>
        %mul3A_299 = arith.constant 2.000000e+00 : f32
        %mul3A_300 = vector.broadcast %mul3A_299 : f32 to vector<16xf32>
        %mul3A_301 = arith.mulf %div3A_212, %mul3A_300 : vector<16xf32>
        %sub3A_302 = arith.constant 5.000000e-01 : f32
        %sub3A_303 = vector.broadcast %sub3A_302 : f32 to vector<16xf32>
        %sub3A_304 = arith.subf %mul3A_301, %sub3A_303 : vector<16xf32>
        %add3A_305 = arith.addf %sub3A_304, %convert_element_type3A_273 : vector<16xf32>
        %mul3A_306 = vector.broadcast %squeeze3A_49 : f32 to vector<16xf32>
        %mul3A_307 = arith.mulf %add3A_305, %mul3A_306 : vector<16xf32>
        %mul3A_308 = arith.mulf %div3A_222, %div3A_222 : vector<16xf32>
        %mul3A_309 = arith.constant 2.000000e+00 : f32
        %mul3A_310 = vector.broadcast %mul3A_309 : f32 to vector<16xf32>
        %mul3A_311 = arith.mulf %mul3A_310, %select_n3A_284 : vector<16xf32>
        %mul3A_312 = arith.mulf %mul3A_308, %mul3A_311 : vector<16xf32>
        %mul3A_313 = arith.mulf %div3A_232, %div3A_232 : vector<16xf32>
        %mul3A_314 = arith.constant 2.000000e+00 : f32
        %mul3A_315 = vector.broadcast %mul3A_314 : f32 to vector<16xf32>
        %mul3A_316 = arith.mulf %mul3A_315, %select_n3A_289 : vector<16xf32>
        %mul3A_317 = arith.mulf %mul3A_313, %mul3A_316 : vector<16xf32>
        %sub3A_318 = arith.subf %mul3A_298, %mul3A_312 : vector<16xf32>
        %max3A = vector.broadcast %squeeze3A : f32 to vector<16xf32>
        %max3A_319 = arith.maximumf %sub3A_318, %max3A : vector<16xf32>
        %sub3A_320 = arith.subf %mul3A_307, %mul3A_317 : vector<16xf32>
        %max3A_321 = vector.broadcast %squeeze3A_33 : f32 to vector<16xf32>
        %max3A_322 = arith.maximumf %sub3A_320, %max3A_321 : vector<16xf32>
        %add3A_323 = arith.addf %mul3A_298, %mul3A_312 : vector<16xf32>
        %min3A = vector.broadcast %squeeze3A_35 : f32 to vector<16xf32>
        %min3A_324 = arith.minimumf %add3A_323, %min3A : vector<16xf32>
        %add3A_325 = arith.addf %mul3A_307, %mul3A_317 : vector<16xf32>
        %min3A_326 = vector.broadcast %squeeze3A_37 : f32 to vector<16xf32>
        %min3A_327 = arith.minimumf %add3A_325, %min3A_326 : vector<16xf32>
        %sub3A_328 = arith.subf %min3A_324, %max3A_319 : vector<16xf32>
        %max3A_329 = arith.constant 0.000000e+00 : f32
        %max3A_330 = vector.broadcast %max3A_329 : f32 to vector<16xf32>
        %max3A_331 = arith.maximumf %sub3A_328, %max3A_330 : vector<16xf32>
        %sub3A_332 = arith.subf %min3A_327, %max3A_322 : vector<16xf32>
        %max3A_333 = arith.constant 0.000000e+00 : f32
        %max3A_334 = vector.broadcast %max3A_333 : f32 to vector<16xf32>
        %max3A_335 = arith.maximumf %sub3A_332, %max3A_334 : vector<16xf32>
        %mul3A_336 = arith.mulf %max3A_331, %max3A_335 : vector<16xf32>
        %add3A_337 = arith.addf %mul3A_312, %mul3A_312 : vector<16xf32>
        %add3A_338 = arith.addf %mul3A_317, %mul3A_317 : vector<16xf32>
        %mul3A_339 = arith.mulf %add3A_337, %add3A_338 : vector<16xf32>
        %add3A_340 = vector.broadcast %squeeze3A_39 : f32 to vector<16xf32>
        %add3A_341 = arith.addf %mul3A_339, %add3A_340 : vector<16xf32>
        %sub3A_342 = arith.subf %add3A_341, %mul3A_336 : vector<16xf32>
        %div3A_343 = arith.divf %mul3A_336, %sub3A_342 : vector<16xf32>
        %ge3A = vector.broadcast %squeeze3A_41 : f32 to vector<16xf32>
        %ge3A_344 = arith.cmpf oge, %div3A_343, %ge3A : vector<16xf32>
        %mul3A_345 = arith.mulf %div3A_242, %div3A_252 : vector<16xf32>
        %jit3A_346 = arith.constant 0.000000e+00 : f32
        %broadcast_in_dim3A_347 = vector.broadcast %jit3A_346 : f32 to vector<16xf32>
        %select_n3A_348 = arith.select %ge3A_344, %mul3A_345, %broadcast_in_dim3A_347 : vector<16xi1>, vector<16xf32>
        %get3A_349 = arith.constant 0 : index
        %get3A_350 = tpu.vector_load %arg11[%get3A_349] {strides = array<i32>} : memref<16xf32, #tpu.memory_space<vmem>>, vector<16xf32>,
        %max3A_351 = arith.maximumf %get3A_350, %select_n3A_348 : vector<16xf32>
        %swap3A_352 = arith.constant 0 : index
        %swap3A_353 = tpu.vector_load %arg11[%swap3A_352] {strides = array<i32>} : memref<16xf32, #tpu.memory_space<vmem>>, vector<16xf32>,
        tpu.vector_store %arg11[%swap3A_352], %max3A_351 {strides = array<i32>} : memref<16xf32, #tpu.memory_space<vmem>>, vector<16xf32>,
        %scan3A_354 = arith.constant 0 : i32
        scf.yield %scan3A_354 : i32
      }
      %scan3A_159 = arith.constant 25 : i32
      %scan3A_160 = arith.constant 0 : i32
      scf.yield %scan3A_160 : i32
    }
    %scan3A_69 = arith.constant 12 : i32
    %get3A_70 = arith.constant 1 : i32
    %get3A_71 = arith.index_cast %get3A_70 : i32 to index
    %get3A_72 = arith.constant 0 : index
    %get3A_73 = tpu.vector_load %arg10[%get3A_71, %get3A_72] {strides = array<i32>} : memref<3x16xf32, #tpu.memory_space<vmem>>, vector<16xf32>,
    %slice3A_74 = vector.extract_strided_slice %get3A_73 {offsets = [0], sizes = [1], strides = [1]} : vector<16xf32> to vector<1xf32>
    %squeeze3A_75 = vector.extract %slice3A_74[0] : f32 from vector<1xf32>
    %slice3A_76 = vector.extract_strided_slice %get3A_73 {offsets = [1], sizes = [1], strides = [1]} : vector<16xf32> to vector<1xf32>
    %squeeze3A_77 = vector.extract %slice3A_76[0] : f32 from vector<1xf32>
    %slice3A_78 = vector.extract_strided_slice %get3A_73 {offsets = [3], sizes = [1], strides = [1]} : vector<16xf32> to vector<1xf32>
    %squeeze3A_79 = vector.extract %slice3A_78[0] : f32 from vector<1xf32>
    %slice3A_80 = vector.extract_strided_slice %get3A_73 {offsets = [5], sizes = [1], strides = [1]} : vector<16xf32> to vector<1xf32>
    %squeeze3A_81 = vector.extract %slice3A_80[0] : f32 from vector<1xf32>
    %slice3A_82 = vector.extract_strided_slice %get3A_73 {offsets = [2], sizes = [1], strides = [1]} : vector<16xf32> to vector<1xf32>
    %squeeze3A_83 = vector.extract %slice3A_82[0] : f32 from vector<1xf32>
    %slice3A_84 = vector.extract_strided_slice %get3A_73 {offsets = [4], sizes = [1], strides = [1]} : vector<16xf32> to vector<1xf32>
    %squeeze3A_85 = vector.extract %slice3A_84[0] : f32 from vector<1xf32>
    %slice3A_86 = vector.extract_strided_slice %get3A_73 {offsets = [6], sizes = [1], strides = [1]} : vector<16xf32> to vector<1xf32>
    %squeeze3A_87 = vector.extract %slice3A_86[0] : f32 from vector<1xf32>
    %mul3A_88 = arith.constant 1200 : i32
    %mul3A_89 = arith.muli %select_n3A_30, %mul3A_88 : i32
    %scan3A_90 = arith.constant 0 : i32
    %scan3A_91 = arith.constant 0 : i32
    %scan3A_92 = arith.constant 3 : i32
    %scan3A_93 = arith.addi %scan3A_91, %scan3A_92 : i32
    %scan3A_94 = arith.constant 1 : i32
    %scan3A_95 = scf.for %scan3A_139 = %scan3A_91 to %scan3A_93 step %scan3A_94 iter_args(%scan3A_140 = %scan3A_90) -> (i32)  : i32 {
      %mul3A_141 = arith.constant 400 : i32
      %mul3A_142 = arith.muli %scan3A_139, %mul3A_141 : i32
      %add3A_143 = arith.addi %mul3A_89, %mul3A_142 : i32
      %mul3A_144 = arith.constant 4800 : i32
      %mul3A_145 = arith.muli %select_n3A, %mul3A_144 : i32
      %add3A_146 = arith.addi %mul3A_145, %add3A_143 : i32
      %mul3A_147 = arith.constant 85 : i32
      %mul3A_148 = arith.muli %add3A_146, %mul3A_147 : i32
      %and3A_149 = arith.constant -8 : i32
      %and3A_150 = arith.andi %mul3A_148, %and3A_149 : i32
      %multiple_of3A_151 = tpu.assume_multiple %and3A_150, 8 : i32
      %sub3A_152 = arith.subi %mul3A_148, %multiple_of3A_151 : i32
      "tpu.region"() ({
        %run_scoped3A = tpu.sem_alloc : memref<!tpu.dma_semaphore, #tpu.memory_space<semaphore_mem>>
        %dma_start3A = arith.constant 0 : i32
        %dma_start3A_161 = tpu.memref_slice %arg8[%dma_start3A] : memref<34000xf32, #tpu.memory_space<vmem>> -> memref<34000xf32, #tpu.memory_space<vmem>>
        %dma_start3A_162 = tpu.memref_slice %arg3[%multiple_of3A_151] : memref<3264000xf32, #tpu.memory_space<hbm>> -> memref<34000xf32, #tpu.memory_space<hbm>>
        %dma_start3A_163 = arith.constant 0 : i32
        %dma_start3A_164 = tpu.memref_slice %arg8[%dma_start3A_163] : memref<34000xf32, #tpu.memory_space<vmem>> -> memref<34000xf32, #tpu.memory_space<vmem>>
        %dma_start3A_165 = tpu.memref_slice %arg3[%multiple_of3A_151] : memref<3264000xf32, #tpu.memory_space<hbm>> -> memref<34000xf32, #tpu.memory_space<hbm>>
        tpu.enqueue_dma source(%dma_start3A_165 : memref<34000xf32, #tpu.memory_space<hbm>>) target(%dma_start3A_164 : memref<34000xf32, #tpu.memory_space<vmem>>) target_semaphore(%run_scoped3A : memref<!tpu.dma_semaphore, #tpu.memory_space<semaphore_mem>>)
        %dma_wait3A = arith.constant 0 : i32
        %dma_wait3A_166 = tpu.memref_slice %arg8[%dma_wait3A] : memref<34000xf32, #tpu.memory_space<vmem>> -> memref<34000xf32, #tpu.memory_space<vmem>>
        %dma_wait3A_167 = tpu.memref_slice %arg3[%multiple_of3A_151] : memref<3264000xf32, #tpu.memory_space<hbm>> -> memref<34000xf32, #tpu.memory_space<hbm>>
        %dma_wait3A_168 = arith.constant 0 : i32
        %dma_wait3A_169 = tpu.memref_slice %arg8[%dma_wait3A_168] : memref<34000xf32, #tpu.memory_space<vmem>> -> memref<34000xf32, #tpu.memory_space<vmem>>
        %dma_wait3A_170 = tpu.memref_slice %arg3[%multiple_of3A_151] : memref<3264000xf32, #tpu.memory_space<hbm>> -> memref<34000xf32, #tpu.memory_space<hbm>>
        tpu.wait_dma2 semaphore(%run_scoped3A : memref<!tpu.dma_semaphore, #tpu.memory_space<semaphore_mem>>) src(%dma_wait3A_170 : memref<34000xf32, #tpu.memory_space<hbm>>) dst(%dma_wait3A_169 : memref<34000xf32, #tpu.memory_space<vmem>>)
        tpu.yield
      }) : () -> ()
      %scan3A_153 = arith.constant 0 : i32
      %scan3A_154 = arith.constant 0 : i32
      %scan3A_155 = arith.constant 25 : i32
      %scan3A_156 = arith.addi %scan3A_154, %scan3A_155 : i32
      %scan3A_157 = arith.constant 1 : i32
      %scan3A_158 = scf.for %scan3A_161 = %scan3A_154 to %scan3A_156 step %scan3A_157 iter_args(%scan3A_162 = %scan3A_153) -> (i32)  : i32 {
        %mul3A_163 = arith.constant 16 : i32
        %mul3A_164 = arith.muli %scan3A_161, %mul3A_163 : i32
        %add3A_165 = vector.broadcast %mul3A_164 : i32 to vector<16xi32>
        %add3A_166 = arith.addi %add3A_165, %iota3A : vector<16xi32>
        %mul3A_167 = arith.constant 85 : i32
        %mul3A_168 = vector.broadcast %mul3A_167 : i32 to vector<16xi32>
        %mul3A_169 = arith.muli %add3A_166, %mul3A_168 : vector<16xi32>
        %add3A_170 = vector.broadcast %sub3A_152 : i32 to vector<16xi32>
        %add3A_171 = arith.addi %add3A_170, %mul3A_169 : vector<16xi32>
        %add3A_172 = arith.constant 0 : i32
        %add3A_173 = vector.broadcast %add3A_172 : i32 to vector<16xi32>
        %add3A_174 = arith.addi %add3A_171, %add3A_173 : vector<16xi32>
        %gather3A = tpu.vector_load_idx %arg8[%add3A_174] : memref<34000xf32, #tpu.memory_space<vmem>>[vector<16xi32>], vector<16xf32>,
        %add3A_175 = arith.constant 1 : i32
        %add3A_176 = vector.broadcast %add3A_175 : i32 to vector<16xi32>
        %add3A_177 = arith.addi %add3A_171, %add3A_176 : vector<16xi32>
        %gather3A_178 = tpu.vector_load_idx %arg8[%add3A_177] : memref<34000xf32, #tpu.memory_space<vmem>>[vector<16xi32>], vector<16xf32>,
        %add3A_179 = arith.constant 2 : i32
        %add3A_180 = vector.broadcast %add3A_179 : i32 to vector<16xi32>
        %add3A_181 = arith.addi %add3A_171, %add3A_180 : vector<16xi32>
        %gather3A_182 = tpu.vector_load_idx %arg8[%add3A_181] : memref<34000xf32, #tpu.memory_space<vmem>>[vector<16xi32>], vector<16xf32>,
        %add3A_183 = arith.constant 3 : i32
        %add3A_184 = vector.broadcast %add3A_183 : i32 to vector<16xi32>
        %add3A_185 = arith.addi %add3A_171, %add3A_184 : vector<16xi32>
        %gather3A_186 = tpu.vector_load_idx %arg8[%add3A_185] : memref<34000xf32, #tpu.memory_space<vmem>>[vector<16xi32>], vector<16xf32>,
        %add3A_187 = arith.constant 4 : i32
        %add3A_188 = vector.broadcast %add3A_187 : i32 to vector<16xi32>
        %add3A_189 = arith.addi %add3A_171, %add3A_188 : vector<16xi32>
        %gather3A_190 = tpu.vector_load_idx %arg8[%add3A_189] : memref<34000xf32, #tpu.memory_space<vmem>>[vector<16xi32>], vector<16xf32>,
        %add3A_191 = arith.constant 5 : i32
        %add3A_192 = vector.broadcast %add3A_191 : i32 to vector<16xi32>
        %add3A_193 = arith.addi %add3A_171, %add3A_192 : vector<16xi32>
        %gather3A_194 = tpu.vector_load_idx %arg8[%add3A_193] : memref<34000xf32, #tpu.memory_space<vmem>>[vector<16xi32>], vector<16xf32>,
        %neg3A = arith.constant 0.000000e+00 : f32
        %neg3A_195 = vector.broadcast %neg3A : f32 to vector<16xf32>
        %neg3A_196 = arith.subf %neg3A_195, %gather3A : vector<16xf32>
        %exp3A = math.exp %neg3A_196 : vector<16xf32>
        %add3A_197 = arith.constant 1.000000e+00 : f32
        %add3A_198 = vector.broadcast %add3A_197 : f32 to vector<16xf32>
        %add3A_199 = arith.addf %add3A_198, %exp3A : vector<16xf32>
        %div3A_200 = arith.constant 1.000000e+00 : f32
        %div3A_201 = vector.broadcast %div3A_200 : f32 to vector<16xf32>
        %div3A_202 = arith.divf %div3A_201, %add3A_199 : vector<16xf32>
        %neg3A_203 = arith.constant 0.000000e+00 : f32
        %neg3A_204 = vector.broadcast %neg3A_203 : f32 to vector<16xf32>
        %neg3A_205 = arith.subf %neg3A_204, %gather3A_178 : vector<16xf32>
        %exp3A_206 = math.exp %neg3A_205 : vector<16xf32>
        %add3A_207 = arith.constant 1.000000e+00 : f32
        %add3A_208 = vector.broadcast %add3A_207 : f32 to vector<16xf32>
        %add3A_209 = arith.addf %add3A_208, %exp3A_206 : vector<16xf32>
        %div3A_210 = arith.constant 1.000000e+00 : f32
        %div3A_211 = vector.broadcast %div3A_210 : f32 to vector<16xf32>
        %div3A_212 = arith.divf %div3A_211, %add3A_209 : vector<16xf32>
        %neg3A_213 = arith.constant 0.000000e+00 : f32
        %neg3A_214 = vector.broadcast %neg3A_213 : f32 to vector<16xf32>
        %neg3A_215 = arith.subf %neg3A_214, %gather3A_182 : vector<16xf32>
        %exp3A_216 = math.exp %neg3A_215 : vector<16xf32>
        %add3A_217 = arith.constant 1.000000e+00 : f32
        %add3A_218 = vector.broadcast %add3A_217 : f32 to vector<16xf32>
        %add3A_219 = arith.addf %add3A_218, %exp3A_216 : vector<16xf32>
        %div3A_220 = arith.constant 1.000000e+00 : f32
        %div3A_221 = vector.broadcast %div3A_220 : f32 to vector<16xf32>
        %div3A_222 = arith.divf %div3A_221, %add3A_219 : vector<16xf32>
        %neg3A_223 = arith.constant 0.000000e+00 : f32
        %neg3A_224 = vector.broadcast %neg3A_223 : f32 to vector<16xf32>
        %neg3A_225 = arith.subf %neg3A_224, %gather3A_186 : vector<16xf32>
        %exp3A_226 = math.exp %neg3A_225 : vector<16xf32>
        %add3A_227 = arith.constant 1.000000e+00 : f32
        %add3A_228 = vector.broadcast %add3A_227 : f32 to vector<16xf32>
        %add3A_229 = arith.addf %add3A_228, %exp3A_226 : vector<16xf32>
        %div3A_230 = arith.constant 1.000000e+00 : f32
        %div3A_231 = vector.broadcast %div3A_230 : f32 to vector<16xf32>
        %div3A_232 = arith.divf %div3A_231, %add3A_229 : vector<16xf32>
        %neg3A_233 = arith.constant 0.000000e+00 : f32
        %neg3A_234 = vector.broadcast %neg3A_233 : f32 to vector<16xf32>
        %neg3A_235 = arith.subf %neg3A_234, %gather3A_190 : vector<16xf32>
        %exp3A_236 = math.exp %neg3A_235 : vector<16xf32>
        %add3A_237 = arith.constant 1.000000e+00 : f32
        %add3A_238 = vector.broadcast %add3A_237 : f32 to vector<16xf32>
        %add3A_239 = arith.addf %add3A_238, %exp3A_236 : vector<16xf32>
        %div3A_240 = arith.constant 1.000000e+00 : f32
        %div3A_241 = vector.broadcast %div3A_240 : f32 to vector<16xf32>
        %div3A_242 = arith.divf %div3A_241, %add3A_239 : vector<16xf32>
        %neg3A_243 = arith.constant 0.000000e+00 : f32
        %neg3A_244 = vector.broadcast %neg3A_243 : f32 to vector<16xf32>
        %neg3A_245 = arith.subf %neg3A_244, %gather3A_194 : vector<16xf32>
        %exp3A_246 = math.exp %neg3A_245 : vector<16xf32>
        %add3A_247 = arith.constant 1.000000e+00 : f32
        %add3A_248 = vector.broadcast %add3A_247 : f32 to vector<16xf32>
        %add3A_249 = arith.addf %add3A_248, %exp3A_246 : vector<16xf32>
        %div3A_250 = arith.constant 1.000000e+00 : f32
        %div3A_251 = vector.broadcast %div3A_250 : f32 to vector<16xf32>
        %div3A_252 = arith.divf %div3A_251, %add3A_249 : vector<16xf32>
        %add3A_253 = vector.broadcast %add3A_143 : i32 to vector<16xi32>
        %add3A_254 = arith.addi %add3A_253, %add3A_166 : vector<16xi32>
        %convert_element_type3A = arith.sitofp %add3A_254 : vector<16xi32> to vector<16xf32>
        %mul3A_255 = arith.constant 2.500000e-02 : f32
        %mul3A_256 = vector.broadcast %mul3A_255 : f32 to vector<16xf32>
        %mul3A_257 = arith.mulf %convert_element_type3A, %mul3A_256 : vector<16xf32>
        %convert_element_type3A_258 = arith.fptosi %mul3A_257 : vector<16xf32> to vector<16xi32>
        %convert_element_type3A_259 = arith.sitofp %convert_element_type3A_258 : vector<16xi32> to vector<16xf32>
        %mul3A_260 = arith.constant 2.500000e-02 : f32
        %mul3A_261 = vector.broadcast %mul3A_260 : f32 to vector<16xf32>
        %mul3A_262 = arith.mulf %convert_element_type3A_259, %mul3A_261 : vector<16xf32>
        %convert_element_type3A_263 = arith.fptosi %mul3A_262 : vector<16xf32> to vector<16xi32>
        %convert_element_type3A_264 = arith.sitofp %convert_element_type3A_258 : vector<16xi32> to vector<16xf32>
        %mul3A_265 = arith.constant 4.000000e+01 : f32
        %mul3A_266 = vector.broadcast %mul3A_265 : f32 to vector<16xf32>
        %mul3A_267 = arith.mulf %convert_element_type3A_264, %mul3A_266 : vector<16xf32>
        %sub3A_268 = arith.subf %convert_element_type3A, %mul3A_267 : vector<16xf32>
        %mul3A_269 = arith.constant 40 : i32
        %mul3A_270 = vector.broadcast %mul3A_269 : i32 to vector<16xi32>
        %mul3A_271 = arith.muli %convert_element_type3A_263, %mul3A_270 : vector<16xi32>
        %sub3A_272 = arith.subi %convert_element_type3A_258, %mul3A_271 : vector<16xi32>
        %convert_element_type3A_273 = arith.sitofp %sub3A_272 : vector<16xi32> to vector<16xf32>
        %eq3A_274 = arith.constant 1 : i32
        %eq3A_275 = vector.broadcast %eq3A_274 : i32 to vector<16xi32>
        %eq3A_276 = arith.cmpi eq, %convert_element_type3A_263, %eq3A_275 : vector<16xi32>
        %eq3A_277 = arith.constant 2 : i32
        %eq3A_278 = vector.broadcast %eq3A_277 : i32 to vector<16xi32>
        %eq3A_279 = arith.cmpi eq, %convert_element_type3A_263, %eq3A_278 : vector<16xi32>
        %broadcast_in_dim3A_280 = vector.broadcast %squeeze3A_79 : f32 to vector<16xf32>
        %broadcast_in_dim3A_281 = vector.broadcast %squeeze3A_77 : f32 to vector<16xf32>
        %select_n3A_282 = arith.select %eq3A_276, %broadcast_in_dim3A_280, %broadcast_in_dim3A_281 : vector<16xi1>, vector<16xf32>
        %broadcast_in_dim3A_283 = vector.broadcast %squeeze3A_81 : f32 to vector<16xf32>
        %select_n3A_284 = arith.select %eq3A_279, %broadcast_in_dim3A_283, %select_n3A_282 : vector<16xi1>, vector<16xf32>
        %broadcast_in_dim3A_285 = vector.broadcast %squeeze3A_85 : f32 to vector<16xf32>
        %broadcast_in_dim3A_286 = vector.broadcast %squeeze3A_83 : f32 to vector<16xf32>
        %select_n3A_287 = arith.select %eq3A_276, %broadcast_in_dim3A_285, %broadcast_in_dim3A_286 : vector<16xi1>, vector<16xf32>
        %broadcast_in_dim3A_288 = vector.broadcast %squeeze3A_87 : f32 to vector<16xf32>
        %select_n3A_289 = arith.select %eq3A_279, %broadcast_in_dim3A_288, %select_n3A_287 : vector<16xi1>, vector<16xf32>
        %mul3A_290 = arith.constant 2.000000e+00 : f32
        %mul3A_291 = vector.broadcast %mul3A_290 : f32 to vector<16xf32>
        %mul3A_292 = arith.mulf %div3A_202, %mul3A_291 : vector<16xf32>
        %sub3A_293 = arith.constant 5.000000e-01 : f32
        %sub3A_294 = vector.broadcast %sub3A_293 : f32 to vector<16xf32>
        %sub3A_295 = arith.subf %mul3A_292, %sub3A_294 : vector<16xf32>
        %add3A_296 = arith.addf %sub3A_295, %sub3A_268 : vector<16xf32>
        %mul3A_297 = vector.broadcast %squeeze3A_75 : f32 to vector<16xf32>
        %mul3A_298 = arith.mulf %add3A_296, %mul3A_297 : vector<16xf32>
        %mul3A_299 = arith.constant 2.000000e+00 : f32
        %mul3A_300 = vector.broadcast %mul3A_299 : f32 to vector<16xf32>
        %mul3A_301 = arith.mulf %div3A_212, %mul3A_300 : vector<16xf32>
        %sub3A_302 = arith.constant 5.000000e-01 : f32
        %sub3A_303 = vector.broadcast %sub3A_302 : f32 to vector<16xf32>
        %sub3A_304 = arith.subf %mul3A_301, %sub3A_303 : vector<16xf32>
        %add3A_305 = arith.addf %sub3A_304, %convert_element_type3A_273 : vector<16xf32>
        %mul3A_306 = vector.broadcast %squeeze3A_75 : f32 to vector<16xf32>
        %mul3A_307 = arith.mulf %add3A_305, %mul3A_306 : vector<16xf32>
        %mul3A_308 = arith.mulf %div3A_222, %div3A_222 : vector<16xf32>
        %mul3A_309 = arith.constant 2.000000e+00 : f32
        %mul3A_310 = vector.broadcast %mul3A_309 : f32 to vector<16xf32>
        %mul3A_311 = arith.mulf %mul3A_310, %select_n3A_284 : vector<16xf32>
        %mul3A_312 = arith.mulf %mul3A_308, %mul3A_311 : vector<16xf32>
        %mul3A_313 = arith.mulf %div3A_232, %div3A_232 : vector<16xf32>
        %mul3A_314 = arith.constant 2.000000e+00 : f32
        %mul3A_315 = vector.broadcast %mul3A_314 : f32 to vector<16xf32>
        %mul3A_316 = arith.mulf %mul3A_315, %select_n3A_289 : vector<16xf32>
        %mul3A_317 = arith.mulf %mul3A_313, %mul3A_316 : vector<16xf32>
        %sub3A_318 = arith.subf %mul3A_298, %mul3A_312 : vector<16xf32>
        %max3A = vector.broadcast %squeeze3A : f32 to vector<16xf32>
        %max3A_319 = arith.maximumf %sub3A_318, %max3A : vector<16xf32>
        %sub3A_320 = arith.subf %mul3A_307, %mul3A_317 : vector<16xf32>
        %max3A_321 = vector.broadcast %squeeze3A_33 : f32 to vector<16xf32>
        %max3A_322 = arith.maximumf %sub3A_320, %max3A_321 : vector<16xf32>
        %add3A_323 = arith.addf %mul3A_298, %mul3A_312 : vector<16xf32>
        %min3A = vector.broadcast %squeeze3A_35 : f32 to vector<16xf32>
        %min3A_324 = arith.minimumf %add3A_323, %min3A : vector<16xf32>
        %add3A_325 = arith.addf %mul3A_307, %mul3A_317 : vector<16xf32>
        %min3A_326 = vector.broadcast %squeeze3A_37 : f32 to vector<16xf32>
        %min3A_327 = arith.minimumf %add3A_325, %min3A_326 : vector<16xf32>
        %sub3A_328 = arith.subf %min3A_324, %max3A_319 : vector<16xf32>
        %max3A_329 = arith.constant 0.000000e+00 : f32
        %max3A_330 = vector.broadcast %max3A_329 : f32 to vector<16xf32>
        %max3A_331 = arith.maximumf %sub3A_328, %max3A_330 : vector<16xf32>
        %sub3A_332 = arith.subf %min3A_327, %max3A_322 : vector<16xf32>
        %max3A_333 = arith.constant 0.000000e+00 : f32
        %max3A_334 = vector.broadcast %max3A_333 : f32 to vector<16xf32>
        %max3A_335 = arith.maximumf %sub3A_332, %max3A_334 : vector<16xf32>
        %mul3A_336 = arith.mulf %max3A_331, %max3A_335 : vector<16xf32>
        %add3A_337 = arith.addf %mul3A_312, %mul3A_312 : vector<16xf32>
        %add3A_338 = arith.addf %mul3A_317, %mul3A_317 : vector<16xf32>
        %mul3A_339 = arith.mulf %add3A_337, %add3A_338 : vector<16xf32>
        %add3A_340 = vector.broadcast %squeeze3A_39 : f32 to vector<16xf32>
        %add3A_341 = arith.addf %mul3A_339, %add3A_340 : vector<16xf32>
        %sub3A_342 = arith.subf %add3A_341, %mul3A_336 : vector<16xf32>
        %div3A_343 = arith.divf %mul3A_336, %sub3A_342 : vector<16xf32>
        %ge3A = vector.broadcast %squeeze3A_41 : f32 to vector<16xf32>
        %ge3A_344 = arith.cmpf oge, %div3A_343, %ge3A : vector<16xf32>
        %mul3A_345 = arith.mulf %div3A_242, %div3A_252 : vector<16xf32>
        %jit3A_346 = arith.constant 0.000000e+00 : f32
        %broadcast_in_dim3A_347 = vector.broadcast %jit3A_346 : f32 to vector<16xf32>
        %select_n3A_348 = arith.select %ge3A_344, %mul3A_345, %broadcast_in_dim3A_347 : vector<16xi1>, vector<16xf32>
        %get3A_349 = arith.constant 0 : index
        %get3A_350 = tpu.vector_load %arg11[%get3A_349] {strides = array<i32>} : memref<16xf32, #tpu.memory_space<vmem>>, vector<16xf32>,
        %max3A_351 = arith.maximumf %get3A_350, %select_n3A_348 : vector<16xf32>
        %swap3A_352 = arith.constant 0 : index
        %swap3A_353 = tpu.vector_load %arg11[%swap3A_352] {strides = array<i32>} : memref<16xf32, #tpu.memory_space<vmem>>, vector<16xf32>,
        tpu.vector_store %arg11[%swap3A_352], %max3A_351 {strides = array<i32>} : memref<16xf32, #tpu.memory_space<vmem>>, vector<16xf32>,
        %scan3A_354 = arith.constant 0 : i32
        scf.yield %scan3A_354 : i32
      }
      %scan3A_159 = arith.constant 25 : i32
      %scan3A_160 = arith.constant 0 : i32
      scf.yield %scan3A_160 : i32
    }
    %scan3A_96 = arith.constant 3 : i32
    %get3A_97 = arith.constant 2 : i32
    %get3A_98 = arith.index_cast %get3A_97 : i32 to index
    %get3A_99 = arith.constant 0 : index
    %get3A_100 = tpu.vector_load %arg10[%get3A_98, %get3A_99] {strides = array<i32>} : memref<3x16xf32, #tpu.memory_space<vmem>>, vector<16xf32>,
    %slice3A_101 = vector.extract_strided_slice %get3A_100 {offsets = [0], sizes = [1], strides = [1]} : vector<16xf32> to vector<1xf32>
    %squeeze3A_102 = vector.extract %slice3A_101[0] : f32 from vector<1xf32>
    %slice3A_103 = vector.extract_strided_slice %get3A_100 {offsets = [1], sizes = [1], strides = [1]} : vector<16xf32> to vector<1xf32>
    %squeeze3A_104 = vector.extract %slice3A_103[0] : f32 from vector<1xf32>
    %slice3A_105 = vector.extract_strided_slice %get3A_100 {offsets = [3], sizes = [1], strides = [1]} : vector<16xf32> to vector<1xf32>
    %squeeze3A_106 = vector.extract %slice3A_105[0] : f32 from vector<1xf32>
    %slice3A_107 = vector.extract_strided_slice %get3A_100 {offsets = [5], sizes = [1], strides = [1]} : vector<16xf32> to vector<1xf32>
    %squeeze3A_108 = vector.extract %slice3A_107[0] : f32 from vector<1xf32>
    %slice3A_109 = vector.extract_strided_slice %get3A_100 {offsets = [2], sizes = [1], strides = [1]} : vector<16xf32> to vector<1xf32>
    %squeeze3A_110 = vector.extract %slice3A_109[0] : f32 from vector<1xf32>
    %slice3A_111 = vector.extract_strided_slice %get3A_100 {offsets = [4], sizes = [1], strides = [1]} : vector<16xf32> to vector<1xf32>
    %squeeze3A_112 = vector.extract %slice3A_111[0] : f32 from vector<1xf32>
    %slice3A_113 = vector.extract_strided_slice %get3A_100 {offsets = [6], sizes = [1], strides = [1]} : vector<16xf32> to vector<1xf32>
    %squeeze3A_114 = vector.extract %slice3A_113[0] : f32 from vector<1xf32>
    %mul3A_115 = arith.constant 300 : i32
    %mul3A_116 = arith.muli %select_n3A_30, %mul3A_115 : i32
    %scan3A_117 = arith.constant 0 : i32
    %scan3A_118 = arith.constant 0 : i32
    %mul3A_119 = arith.constant 300 : i32
    %mul3A_120 = arith.muli %scan3A_118, %mul3A_119 : i32
    %add3A_121 = arith.addi %mul3A_116, %mul3A_120 : i32
    %mul3A_122 = arith.constant 1200 : i32
    %mul3A_123 = arith.muli %select_n3A, %mul3A_122 : i32
    %add3A_124 = arith.addi %mul3A_123, %add3A_121 : i32
    %mul3A_125 = arith.constant 85 : i32
    %mul3A_126 = arith.muli %add3A_124, %mul3A_125 : i32
    %and3A_127 = arith.constant -8 : i32
    %and3A_128 = arith.andi %mul3A_126, %and3A_127 : i32
    %multiple_of3A = tpu.assume_multiple %and3A_128, 8 : i32
    %sub3A_129 = arith.subi %mul3A_126, %multiple_of3A : i32
    "tpu.region"() ({
      %run_scoped3A = tpu.sem_alloc : memref<!tpu.dma_semaphore, #tpu.memory_space<semaphore_mem>>
      %dma_start3A = arith.constant 0 : i32
      %dma_start3A_139 = tpu.memref_slice %arg8[%dma_start3A] : memref<34000xf32, #tpu.memory_space<vmem>> -> memref<25504xf32, #tpu.memory_space<vmem>>
      %dma_start3A_140 = tpu.memref_slice %arg4[%multiple_of3A] : memref<816000xf32, #tpu.memory_space<hbm>> -> memref<25504xf32, #tpu.memory_space<hbm>>
      %dma_start3A_141 = arith.constant 0 : i32
      %dma_start3A_142 = tpu.memref_slice %arg8[%dma_start3A_141] : memref<34000xf32, #tpu.memory_space<vmem>> -> memref<25504xf32, #tpu.memory_space<vmem>>
      %dma_start3A_143 = tpu.memref_slice %arg4[%multiple_of3A] : memref<816000xf32, #tpu.memory_space<hbm>> -> memref<25504xf32, #tpu.memory_space<hbm>>
      tpu.enqueue_dma source(%dma_start3A_143 : memref<25504xf32, #tpu.memory_space<hbm>>) target(%dma_start3A_142 : memref<25504xf32, #tpu.memory_space<vmem>>) target_semaphore(%run_scoped3A : memref<!tpu.dma_semaphore, #tpu.memory_space<semaphore_mem>>)
      %dma_wait3A = arith.constant 0 : i32
      %dma_wait3A_144 = tpu.memref_slice %arg8[%dma_wait3A] : memref<34000xf32, #tpu.memory_space<vmem>> -> memref<25504xf32, #tpu.memory_space<vmem>>
      %dma_wait3A_145 = tpu.memref_slice %arg4[%multiple_of3A] : memref<816000xf32, #tpu.memory_space<hbm>> -> memref<25504xf32, #tpu.memory_space<hbm>>
      %dma_wait3A_146 = arith.constant 0 : i32
      %dma_wait3A_147 = tpu.memref_slice %arg8[%dma_wait3A_146] : memref<34000xf32, #tpu.memory_space<vmem>> -> memref<25504xf32, #tpu.memory_space<vmem>>
      %dma_wait3A_148 = tpu.memref_slice %arg4[%multiple_of3A] : memref<816000xf32, #tpu.memory_space<hbm>> -> memref<25504xf32, #tpu.memory_space<hbm>>
      tpu.wait_dma2 semaphore(%run_scoped3A : memref<!tpu.dma_semaphore, #tpu.memory_space<semaphore_mem>>) src(%dma_wait3A_148 : memref<25504xf32, #tpu.memory_space<hbm>>) dst(%dma_wait3A_147 : memref<25504xf32, #tpu.memory_space<vmem>>)
      tpu.yield
    }) : () -> ()
    %scan3A_130 = arith.constant 0 : i32
    %scan3A_131 = arith.constant 0 : i32
    %scan3A_132 = arith.constant 19 : i32
    %scan3A_133 = arith.addi %scan3A_131, %scan3A_132 : i32
    %scan3A_134 = arith.constant 1 : i32
    %scan3A_135 = scf.for %scan3A_139 = %scan3A_131 to %scan3A_133 step %scan3A_134 iter_args(%scan3A_140 = %scan3A_130) -> (i32)  : i32 {
      %mul3A_141 = arith.constant 16 : i32
      %mul3A_142 = arith.muli %scan3A_139, %mul3A_141 : i32
      %add3A_143 = vector.broadcast %mul3A_142 : i32 to vector<16xi32>
      %add3A_144 = arith.addi %add3A_143, %iota3A : vector<16xi32>
      %lt3A_145 = arith.constant 300 : i32
      %lt3A_146 = vector.broadcast %lt3A_145 : i32 to vector<16xi32>
      %lt3A_147 = arith.cmpi slt, %add3A_144, %lt3A_146 : vector<16xi32>
      %min3A = arith.constant 299 : i32
      %min3A_148 = vector.broadcast %min3A : i32 to vector<16xi32>
      %min3A_149 = arith.minsi %add3A_144, %min3A_148 : vector<16xi32>
      %mul3A_150 = arith.constant 85 : i32
      %mul3A_151 = vector.broadcast %mul3A_150 : i32 to vector<16xi32>
      %mul3A_152 = arith.muli %min3A_149, %mul3A_151 : vector<16xi32>
      %add3A_153 = vector.broadcast %sub3A_129 : i32 to vector<16xi32>
      %add3A_154 = arith.addi %add3A_153, %mul3A_152 : vector<16xi32>
      %add3A_155 = arith.constant 0 : i32
      %add3A_156 = vector.broadcast %add3A_155 : i32 to vector<16xi32>
      %add3A_157 = arith.addi %add3A_154, %add3A_156 : vector<16xi32>
      %gather3A = tpu.vector_load_idx %arg8[%add3A_157] : memref<34000xf32, #tpu.memory_space<vmem>>[vector<16xi32>], vector<16xf32>,
      %add3A_158 = arith.constant 1 : i32
      %add3A_159 = vector.broadcast %add3A_158 : i32 to vector<16xi32>
      %add3A_160 = arith.addi %add3A_154, %add3A_159 : vector<16xi32>
      %gather3A_161 = tpu.vector_load_idx %arg8[%add3A_160] : memref<34000xf32, #tpu.memory_space<vmem>>[vector<16xi32>], vector<16xf32>,
      %add3A_162 = arith.constant 2 : i32
      %add3A_163 = vector.broadcast %add3A_162 : i32 to vector<16xi32>
      %add3A_164 = arith.addi %add3A_154, %add3A_163 : vector<16xi32>
      %gather3A_165 = tpu.vector_load_idx %arg8[%add3A_164] : memref<34000xf32, #tpu.memory_space<vmem>>[vector<16xi32>], vector<16xf32>,
      %add3A_166 = arith.constant 3 : i32
      %add3A_167 = vector.broadcast %add3A_166 : i32 to vector<16xi32>
      %add3A_168 = arith.addi %add3A_154, %add3A_167 : vector<16xi32>
      %gather3A_169 = tpu.vector_load_idx %arg8[%add3A_168] : memref<34000xf32, #tpu.memory_space<vmem>>[vector<16xi32>], vector<16xf32>,
      %add3A_170 = arith.constant 4 : i32
      %add3A_171 = vector.broadcast %add3A_170 : i32 to vector<16xi32>
      %add3A_172 = arith.addi %add3A_154, %add3A_171 : vector<16xi32>
      %gather3A_173 = tpu.vector_load_idx %arg8[%add3A_172] : memref<34000xf32, #tpu.memory_space<vmem>>[vector<16xi32>], vector<16xf32>,
      %add3A_174 = arith.constant 5 : i32
      %add3A_175 = vector.broadcast %add3A_174 : i32 to vector<16xi32>
      %add3A_176 = arith.addi %add3A_154, %add3A_175 : vector<16xi32>
      %gather3A_177 = tpu.vector_load_idx %arg8[%add3A_176] : memref<34000xf32, #tpu.memory_space<vmem>>[vector<16xi32>], vector<16xf32>,
      %neg3A = arith.constant 0.000000e+00 : f32
      %neg3A_178 = vector.broadcast %neg3A : f32 to vector<16xf32>
      %neg3A_179 = arith.subf %neg3A_178, %gather3A : vector<16xf32>
      %exp3A = math.exp %neg3A_179 : vector<16xf32>
      %add3A_180 = arith.constant 1.000000e+00 : f32
      %add3A_181 = vector.broadcast %add3A_180 : f32 to vector<16xf32>
      %add3A_182 = arith.addf %add3A_181, %exp3A : vector<16xf32>
      %div3A_183 = arith.constant 1.000000e+00 : f32
      %div3A_184 = vector.broadcast %div3A_183 : f32 to vector<16xf32>
      %div3A_185 = arith.divf %div3A_184, %add3A_182 : vector<16xf32>
      %neg3A_186 = arith.constant 0.000000e+00 : f32
      %neg3A_187 = vector.broadcast %neg3A_186 : f32 to vector<16xf32>
      %neg3A_188 = arith.subf %neg3A_187, %gather3A_161 : vector<16xf32>
      %exp3A_189 = math.exp %neg3A_188 : vector<16xf32>
      %add3A_190 = arith.constant 1.000000e+00 : f32
      %add3A_191 = vector.broadcast %add3A_190 : f32 to vector<16xf32>
      %add3A_192 = arith.addf %add3A_191, %exp3A_189 : vector<16xf32>
      %div3A_193 = arith.constant 1.000000e+00 : f32
      %div3A_194 = vector.broadcast %div3A_193 : f32 to vector<16xf32>
      %div3A_195 = arith.divf %div3A_194, %add3A_192 : vector<16xf32>
      %neg3A_196 = arith.constant 0.000000e+00 : f32
      %neg3A_197 = vector.broadcast %neg3A_196 : f32 to vector<16xf32>
      %neg3A_198 = arith.subf %neg3A_197, %gather3A_165 : vector<16xf32>
      %exp3A_199 = math.exp %neg3A_198 : vector<16xf32>
      %add3A_200 = arith.constant 1.000000e+00 : f32
      %add3A_201 = vector.broadcast %add3A_200 : f32 to vector<16xf32>
      %add3A_202 = arith.addf %add3A_201, %exp3A_199 : vector<16xf32>
      %div3A_203 = arith.constant 1.000000e+00 : f32
      %div3A_204 = vector.broadcast %div3A_203 : f32 to vector<16xf32>
      %div3A_205 = arith.divf %div3A_204, %add3A_202 : vector<16xf32>
      %neg3A_206 = arith.constant 0.000000e+00 : f32
      %neg3A_207 = vector.broadcast %neg3A_206 : f32 to vector<16xf32>
      %neg3A_208 = arith.subf %neg3A_207, %gather3A_169 : vector<16xf32>
      %exp3A_209 = math.exp %neg3A_208 : vector<16xf32>
      %add3A_210 = arith.constant 1.000000e+00 : f32
      %add3A_211 = vector.broadcast %add3A_210 : f32 to vector<16xf32>
      %add3A_212 = arith.addf %add3A_211, %exp3A_209 : vector<16xf32>
      %div3A_213 = arith.constant 1.000000e+00 : f32
      %div3A_214 = vector.broadcast %div3A_213 : f32 to vector<16xf32>
      %div3A_215 = arith.divf %div3A_214, %add3A_212 : vector<16xf32>
      %neg3A_216 = arith.constant 0.000000e+00 : f32
      %neg3A_217 = vector.broadcast %neg3A_216 : f32 to vector<16xf32>
      %neg3A_218 = arith.subf %neg3A_217, %gather3A_173 : vector<16xf32>
      %exp3A_219 = math.exp %neg3A_218 : vector<16xf32>
      %add3A_220 = arith.constant 1.000000e+00 : f32
      %add3A_221 = vector.broadcast %add3A_220 : f32 to vector<16xf32>
      %add3A_222 = arith.addf %add3A_221, %exp3A_219 : vector<16xf32>
      %div3A_223 = arith.constant 1.000000e+00 : f32
      %div3A_224 = vector.broadcast %div3A_223 : f32 to vector<16xf32>
      %div3A_225 = arith.divf %div3A_224, %add3A_222 : vector<16xf32>
      %neg3A_226 = arith.constant 0.000000e+00 : f32
      %neg3A_227 = vector.broadcast %neg3A_226 : f32 to vector<16xf32>
      %neg3A_228 = arith.subf %neg3A_227, %gather3A_177 : vector<16xf32>
      %exp3A_229 = math.exp %neg3A_228 : vector<16xf32>
      %add3A_230 = arith.constant 1.000000e+00 : f32
      %add3A_231 = vector.broadcast %add3A_230 : f32 to vector<16xf32>
      %add3A_232 = arith.addf %add3A_231, %exp3A_229 : vector<16xf32>
      %div3A_233 = arith.constant 1.000000e+00 : f32
      %div3A_234 = vector.broadcast %div3A_233 : f32 to vector<16xf32>
      %div3A_235 = arith.divf %div3A_234, %add3A_232 : vector<16xf32>
      %add3A_236 = vector.broadcast %add3A_121 : i32 to vector<16xi32>
      %add3A_237 = arith.addi %add3A_236, %min3A_149 : vector<16xi32>
      %convert_element_type3A = arith.sitofp %add3A_237 : vector<16xi32> to vector<16xf32>
      %mul3A_238 = arith.constant 5.000000e-02 : f32
      %mul3A_239 = vector.broadcast %mul3A_238 : f32 to vector<16xf32>
      %mul3A_240 = arith.mulf %convert_element_type3A, %mul3A_239 : vector<16xf32>
      %convert_element_type3A_241 = arith.fptosi %mul3A_240 : vector<16xf32> to vector<16xi32>
      %convert_element_type3A_242 = arith.sitofp %convert_element_type3A_241 : vector<16xi32> to vector<16xf32>
      %mul3A_243 = arith.constant 5.000000e-02 : f32
      %mul3A_244 = vector.broadcast %mul3A_243 : f32 to vector<16xf32>
      %mul3A_245 = arith.mulf %convert_element_type3A_242, %mul3A_244 : vector<16xf32>
      %convert_element_type3A_246 = arith.fptosi %mul3A_245 : vector<16xf32> to vector<16xi32>
      %convert_element_type3A_247 = arith.sitofp %convert_element_type3A_241 : vector<16xi32> to vector<16xf32>
      %mul3A_248 = arith.constant 2.000000e+01 : f32
      %mul3A_249 = vector.broadcast %mul3A_248 : f32 to vector<16xf32>
      %mul3A_250 = arith.mulf %convert_element_type3A_247, %mul3A_249 : vector<16xf32>
      %sub3A_251 = arith.subf %convert_element_type3A, %mul3A_250 : vector<16xf32>
      %mul3A_252 = arith.constant 20 : i32
      %mul3A_253 = vector.broadcast %mul3A_252 : i32 to vector<16xi32>
      %mul3A_254 = arith.muli %convert_element_type3A_246, %mul3A_253 : vector<16xi32>
      %sub3A_255 = arith.subi %convert_element_type3A_241, %mul3A_254 : vector<16xi32>
      %convert_element_type3A_256 = arith.sitofp %sub3A_255 : vector<16xi32> to vector<16xf32>
      %eq3A_257 = arith.constant 1 : i32
      %eq3A_258 = vector.broadcast %eq3A_257 : i32 to vector<16xi32>
      %eq3A_259 = arith.cmpi eq, %convert_element_type3A_246, %eq3A_258 : vector<16xi32>
      %eq3A_260 = arith.constant 2 : i32
      %eq3A_261 = vector.broadcast %eq3A_260 : i32 to vector<16xi32>
      %eq3A_262 = arith.cmpi eq, %convert_element_type3A_246, %eq3A_261 : vector<16xi32>
      %broadcast_in_dim3A_263 = vector.broadcast %squeeze3A_106 : f32 to vector<16xf32>
      %broadcast_in_dim3A_264 = vector.broadcast %squeeze3A_104 : f32 to vector<16xf32>
      %select_n3A_265 = arith.select %eq3A_259, %broadcast_in_dim3A_263, %broadcast_in_dim3A_264 : vector<16xi1>, vector<16xf32>
      %broadcast_in_dim3A_266 = vector.broadcast %squeeze3A_108 : f32 to vector<16xf32>
      %select_n3A_267 = arith.select %eq3A_262, %broadcast_in_dim3A_266, %select_n3A_265 : vector<16xi1>, vector<16xf32>
      %broadcast_in_dim3A_268 = vector.broadcast %squeeze3A_112 : f32 to vector<16xf32>
      %broadcast_in_dim3A_269 = vector.broadcast %squeeze3A_110 : f32 to vector<16xf32>
      %select_n3A_270 = arith.select %eq3A_259, %broadcast_in_dim3A_268, %broadcast_in_dim3A_269 : vector<16xi1>, vector<16xf32>
      %broadcast_in_dim3A_271 = vector.broadcast %squeeze3A_114 : f32 to vector<16xf32>
      %select_n3A_272 = arith.select %eq3A_262, %broadcast_in_dim3A_271, %select_n3A_270 : vector<16xi1>, vector<16xf32>
      %mul3A_273 = arith.constant 2.000000e+00 : f32
      %mul3A_274 = vector.broadcast %mul3A_273 : f32 to vector<16xf32>
      %mul3A_275 = arith.mulf %div3A_185, %mul3A_274 : vector<16xf32>
      %sub3A_276 = arith.constant 5.000000e-01 : f32
      %sub3A_277 = vector.broadcast %sub3A_276 : f32 to vector<16xf32>
      %sub3A_278 = arith.subf %mul3A_275, %sub3A_277 : vector<16xf32>
      %add3A_279 = arith.addf %sub3A_278, %sub3A_251 : vector<16xf32>
      %mul3A_280 = vector.broadcast %squeeze3A_102 : f32 to vector<16xf32>
      %mul3A_281 = arith.mulf %add3A_279, %mul3A_280 : vector<16xf32>
      %mul3A_282 = arith.constant 2.000000e+00 : f32
      %mul3A_283 = vector.broadcast %mul3A_282 : f32 to vector<16xf32>
      %mul3A_284 = arith.mulf %div3A_195, %mul3A_283 : vector<16xf32>
      %sub3A_285 = arith.constant 5.000000e-01 : f32
      %sub3A_286 = vector.broadcast %sub3A_285 : f32 to vector<16xf32>
      %sub3A_287 = arith.subf %mul3A_284, %sub3A_286 : vector<16xf32>
      %add3A_288 = arith.addf %sub3A_287, %convert_element_type3A_256 : vector<16xf32>
      %mul3A_289 = vector.broadcast %squeeze3A_102 : f32 to vector<16xf32>
      %mul3A_290 = arith.mulf %add3A_288, %mul3A_289 : vector<16xf32>
      %mul3A_291 = arith.mulf %div3A_205, %div3A_205 : vector<16xf32>
      %mul3A_292 = arith.constant 2.000000e+00 : f32
      %mul3A_293 = vector.broadcast %mul3A_292 : f32 to vector<16xf32>
      %mul3A_294 = arith.mulf %mul3A_293, %select_n3A_267 : vector<16xf32>
      %mul3A_295 = arith.mulf %mul3A_291, %mul3A_294 : vector<16xf32>
      %mul3A_296 = arith.mulf %div3A_215, %div3A_215 : vector<16xf32>
      %mul3A_297 = arith.constant 2.000000e+00 : f32
      %mul3A_298 = vector.broadcast %mul3A_297 : f32 to vector<16xf32>
      %mul3A_299 = arith.mulf %mul3A_298, %select_n3A_272 : vector<16xf32>
      %mul3A_300 = arith.mulf %mul3A_296, %mul3A_299 : vector<16xf32>
      %sub3A_301 = arith.subf %mul3A_281, %mul3A_295 : vector<16xf32>
      %max3A = vector.broadcast %squeeze3A : f32 to vector<16xf32>
      %max3A_302 = arith.maximumf %sub3A_301, %max3A : vector<16xf32>
      %sub3A_303 = arith.subf %mul3A_290, %mul3A_300 : vector<16xf32>
      %max3A_304 = vector.broadcast %squeeze3A_33 : f32 to vector<16xf32>
      %max3A_305 = arith.maximumf %sub3A_303, %max3A_304 : vector<16xf32>
      %add3A_306 = arith.addf %mul3A_281, %mul3A_295 : vector<16xf32>
      %min3A_307 = vector.broadcast %squeeze3A_35 : f32 to vector<16xf32>
      %min3A_308 = arith.minimumf %add3A_306, %min3A_307 : vector<16xf32>
      %add3A_309 = arith.addf %mul3A_290, %mul3A_300 : vector<16xf32>
      %min3A_310 = vector.broadcast %squeeze3A_37 : f32 to vector<16xf32>
      %min3A_311 = arith.minimumf %add3A_309, %min3A_310 : vector<16xf32>
      %sub3A_312 = arith.subf %min3A_308, %max3A_302 : vector<16xf32>
      %max3A_313 = arith.constant 0.000000e+00 : f32
      %max3A_314 = vector.broadcast %max3A_313 : f32 to vector<16xf32>
      %max3A_315 = arith.maximumf %sub3A_312, %max3A_314 : vector<16xf32>
      %sub3A_316 = arith.subf %min3A_311, %max3A_305 : vector<16xf32>
      %max3A_317 = arith.constant 0.000000e+00 : f32
      %max3A_318 = vector.broadcast %max3A_317 : f32 to vector<16xf32>
      %max3A_319 = arith.maximumf %sub3A_316, %max3A_318 : vector<16xf32>
      %mul3A_320 = arith.mulf %max3A_315, %max3A_319 : vector<16xf32>
      %add3A_321 = arith.addf %mul3A_295, %mul3A_295 : vector<16xf32>
      %add3A_322 = arith.addf %mul3A_300, %mul3A_300 : vector<16xf32>
      %mul3A_323 = arith.mulf %add3A_321, %add3A_322 : vector<16xf32>
      %add3A_324 = vector.broadcast %squeeze3A_39 : f32 to vector<16xf32>
      %add3A_325 = arith.addf %mul3A_323, %add3A_324 : vector<16xf32>
      %sub3A_326 = arith.subf %add3A_325, %mul3A_320 : vector<16xf32>
      %div3A_327 = arith.divf %mul3A_320, %sub3A_326 : vector<16xf32>
      %ge3A = vector.broadcast %squeeze3A_41 : f32 to vector<16xf32>
      %ge3A_328 = arith.cmpf oge, %div3A_327, %ge3A : vector<16xf32>
      %and3A_329 = arith.andi %ge3A_328, %lt3A_147 : vector<16xi1>
      %mul3A_330 = arith.mulf %div3A_225, %div3A_235 : vector<16xf32>
      %jit3A_331 = arith.constant 0.000000e+00 : f32
      %broadcast_in_dim3A_332 = vector.broadcast %jit3A_331 : f32 to vector<16xf32>
      %select_n3A_333 = arith.select %and3A_329, %mul3A_330, %broadcast_in_dim3A_332 : vector<16xi1>, vector<16xf32>
      %get3A_334 = arith.constant 0 : index
      %get3A_335 = tpu.vector_load %arg11[%get3A_334] {strides = array<i32>} : memref<16xf32, #tpu.memory_space<vmem>>, vector<16xf32>,
      %max3A_336 = arith.maximumf %get3A_335, %select_n3A_333 : vector<16xf32>
      %swap3A_337 = arith.constant 0 : index
      %swap3A_338 = tpu.vector_load %arg11[%swap3A_337] {strides = array<i32>} : memref<16xf32, #tpu.memory_space<vmem>>, vector<16xf32>,
      tpu.vector_store %arg11[%swap3A_337], %max3A_336 {strides = array<i32>} : memref<16xf32, #tpu.memory_space<vmem>>, vector<16xf32>,
      %scan3A_339 = arith.constant 0 : i32
      scf.yield %scan3A_339 : i32
    }
    %scan3A_136 = arith.constant 19 : i32
    %scan3A_137 = arith.constant 0 : i32
    %scan3A_138 = arith.constant 1 : i32
    "tpu.region"() ({
      %run_scoped3A = tpu.sem_alloc : memref<!tpu.dma_semaphore, #tpu.memory_space<semaphore_mem>>
      %dma_start3A = arith.constant 0 : i32
      %dma_start3A_139 = tpu.memref_slice %arg7[%add3A, %dma_start3A] : memref<32x16xf32, #tpu.memory_space<hbm>> -> memref<1x16xf32, #tpu.memory_space<hbm>>
      %dma_start3A_140 = tpu.memref_squeeze %dma_start3A_139 : memref<1x16xf32, #tpu.memory_space<hbm>> -> memref<16xf32, #tpu.memory_space<hbm>>
      %dma_start3A_141 = arith.constant 0 : i32
      %dma_start3A_142 = tpu.memref_slice %arg7[%add3A, %dma_start3A_141] : memref<32x16xf32, #tpu.memory_space<hbm>> -> memref<1x16xf32, #tpu.memory_space<hbm>>
      %dma_start3A_143 = tpu.memref_squeeze %dma_start3A_142 : memref<1x16xf32, #tpu.memory_space<hbm>> -> memref<16xf32, #tpu.memory_space<hbm>>
      tpu.enqueue_dma source(%arg11 : memref<16xf32, #tpu.memory_space<vmem>>) target(%dma_start3A_143 : memref<16xf32, #tpu.memory_space<hbm>>) target_semaphore(%run_scoped3A : memref<!tpu.dma_semaphore, #tpu.memory_space<semaphore_mem>>)
      %dma_wait3A = arith.constant 0 : i32
      %dma_wait3A_144 = tpu.memref_slice %arg7[%add3A, %dma_wait3A] : memref<32x16xf32, #tpu.memory_space<hbm>> -> memref<1x16xf32, #tpu.memory_space<hbm>>
      %dma_wait3A_145 = tpu.memref_squeeze %dma_wait3A_144 : memref<1x16xf32, #tpu.memory_space<hbm>> -> memref<16xf32, #tpu.memory_space<hbm>>
      %dma_wait3A_146 = arith.constant 0 : i32
      %dma_wait3A_147 = tpu.memref_slice %arg7[%add3A, %dma_wait3A_146] : memref<32x16xf32, #tpu.memory_space<hbm>> -> memref<1x16xf32, #tpu.memory_space<hbm>>
      %dma_wait3A_148 = tpu.memref_squeeze %dma_wait3A_147 : memref<1x16xf32, #tpu.memory_space<hbm>> -> memref<16xf32, #tpu.memory_space<hbm>>
      tpu.wait_dma2 semaphore(%run_scoped3A : memref<!tpu.dma_semaphore, #tpu.memory_space<semaphore_mem>>) src(%arg11 : memref<16xf32, #tpu.memory_space<vmem>>) dst(%dma_wait3A_148 : memref<16xf32, #tpu.memory_space<hbm>>)
      tpu.yield
    }) : () -> ()
    return
  }
}

</mosaic_0001>

<sc_bundles>
// kernel: kernel.3.cloned.1.call-start
scs
__scs_entry_jumppad:
0x0: {  	(pc) =	sbr.rel $0x88, $3  }
0x1: {  	(tag) =	ssettag $0x0;
	lr =	simm.s32 $0x1  }
0x2: {  	[smem:$0x3F9A] =	sst lr;
	_ =	strace $0xD0000000  }
0x3: {  	_ = 	snop  }
0x4: {  	_ = 	snop  }
0x5: {  	_ = 	snop  }
0x6: {  	_ = 	snop  }
0x7: {  	_ = 	snop  }
__scs_overlays_trampoline_lowered:
0x8: {  	[smem:$0x3FA9] =	sst s0  }
0x9: {  	[smem:$0x3FAA] =	sst s1  }
0xa: {  	[smem:$0x3FAB] =	sst s2  }
0xb: {  	[smem:$0x3FAC] =	sst s3  }
0xc: {  	[smem:$0x3FAD] =	sst s4  }
0xd: {  	[smem:$0x3FAE] =	sst s5  }
0xe: {  	[smem:$0x3FAF] =	sst s6  }
0xf: {  	[smem:$0x3FB0] =	sst s7  }
0x10: {  	[smem:$0x3FB1] =	sst s8  }
0x11: {  	[smem:$0x3FB2] =	sst s9;
	s0 =	simm.s32 @!p0 $0x0  }
0x12: {  	s1 =	sld [smem:$0x3F98];
	s0 =	simm.s32 @p0 $0x1  }
0x13: {  	[smem:$0x3FB3] =	sst s0;
	s0 =	simm.s32 @!p1 $0x0  }
0x14: {  	s2 =	sld [smem:$0x3F97];
	s0 =	simm.s32 @p1 $0x1  }
0x15: {  	[smem:$0x3FB4] =	sst s0;
	s0 =	simm.s32 @!p2 $0x0  }
0x16: {  	s3 =	sld [smem:$0x3FDB];
	s0 =	simm.s32 @p2 $0x1  }
0x17: {  	s4 =	simm.s32 $0x1BF5;
	[smem:$0x3FB6] =	sst s0  }
0x18: {  	s0 =	sld [smem:$0x3F99];
	_ =	swait.ge [sflag:s4], $0x0  }
0x19: {  	s7 =	sld [smem:$0x3F9A]  }
0x1a: {  	s8 =	sadd.s32 $0xFFFFE003, lr  }
0x1b: {  	s9 =	sadd.s32 $0xFFFFFEF7, lr;
	s5 =	simm.s32 $0xFFFFFFFF;
	p2 =	slt.u32 s8, $0xFFFFF086  }
0x1c: {  	p1 =	slt.u32 s9, $0xF7A;
	s5 =	simm.s32 @!p2 $0x0  }
0x1d: {  	s5 =	simm.s32 @p1 $0x1;
	p0 =	seq.s32 s7, s2  }
0x1e: {  	s7 =	smul.u32 @!p0 $0xF7A, s2;
	p2 =	seq.s32 @!p0 s5, $0x0  }
0x1f: {  	s9 =	smul.u32 $0xF7A, s1;
	s8 =	simm.s32 @!p0 $0x1BF5;
	p2 =	por !p2, p0  }
0x20: {  	[sflag:s8] =	ssyncset.s32 @!p0 $0xFFFFF086;
	s6 =	sadd.s32 @!p0 s3, s7;
	s7 =	simm.s32 @!p0 $0x108  }
0x21: {  	s3 =	sadd.s32 s3, s9;
	s6 =	sadd.s32 @!p0 $0x88, s6;
	s7 =	simm.s32 @p2 $0x1082  }
0x22: {  	[simem:s7], [sflag:s8] =	dma.local @!p0 [hbm:s6], $0xF7A  }
0x23: {  	s9 =	sor.u32 $0xD0000000, s2;
	s6 =	simm.s32 $0x108;
	_ =	swait.ge @!p0 [sflag:s8], $0x0  }
0x24: {  	s3 =	sadd.s32 $0x88, s3;
	s6 =	simm.s32 @!p1 $0x1082;
	[sflag:s4] =	ssyncset.s32 $0xFFFFF086  }
0x25: {  	[simem:s6], [sflag:s4] =	dma.local [hbm:s3], $0xF7A  }
0x26: {  	[smem:$0x3F9A] =	sst s1;
	(tag) =	ssettag s2;
	_ =	strace s9  }
0x27: {  	s1 =	sld [smem:$0x3FAA]  }
0x28: {  	s2 =	sld [smem:$0x3FAB]  }
0x29: {  	s4 =	sld [smem:$0x3FAD]  }
0x2a: {  	p0 =	seq.s32 s5, $0x0;
	s5 =	sld [smem:$0x3FAE]  }
0x2b: {  	s6 =	sld [smem:$0x3FAF]  }
0x2c: {  	s7 =	sld [smem:$0x3FB0]  }
0x2d: {  	s3 =	simm.s32 $0x108;
	s8 =	sld [smem:$0x3FB1]  }
0x2e: {  	s3 =	simm.s32 @!p0 $0x1082;
	s9 =	sld [smem:$0x3FB2]  }
0x2f: {  	lr =	sadd.s32 s0, s3;
	s0 =	sld [smem:$0x3FA9]  }
0x30: {  	s3 =	sld [smem:$0x3FAC]  }
0x31: {  	[smem:$0x3FB5] =	sst s10  }
0x32: {  	s10 =	sld [smem:$0x3FB3];
	_ =	sdelay $0x3  }
0x33: {  	p0 =	seq.s32 s10, $0x1;
	s10 =	sld [smem:$0x3FB5];
	_ =	sdelay $0x3  }
0x34: {  	[smem:$0x3FB5] =	sst s10  }
0x35: {  	s10 =	sld [smem:$0x3FB4];
	_ =	sdelay $0x3  }
0x36: {  	p1 =	seq.s32 s10, $0x1;
	s10 =	sld [smem:$0x3FB5];
	_ =	sdelay $0x3  }
0x37: {  	[smem:$0x3FB5] =	sst s10  }
0x38: {  	s10 =	sld [smem:$0x3FB6]  }
0x39: {  	_ = 	snop;
	(pc) =	sbr.ind lr, $3  }
0x3a: {  	_ = 	snop  }
0x3b: {  	_ = 	snop  }
0x3c: {  	p2 =	seq.s32 s10, $0x1;
	s10 =	sld [smem:$0x3FB5]  }
0x3d: {  	_ =	shalt  }
0x3e: {  	_ =	shalt  }
0x3f: {  	_ =	shalt  }
0x40: {  	_ =	shalt  }
0x41: {  	_ =	shalt  }
0x42: {  	_ =	shalt  }
0x43: {  	_ =	shalt  }
0x44: {  	_ =	shalt  }
0x45: {  	_ =	shalt  }
0x46: {  	_ =	shalt  }
0x47: {  	_ =	shalt  }
0x48: {  	_ =	shalt  }
0x49: {  	_ =	shalt  }
0x4a: {  	_ =	shalt  }
0x4b: {  	_ =	shalt  }
0x4c: {  	_ =	shalt  }
0x4d: {  	_ =	shalt  }
0x4e: {  	_ =	shalt  }
0x4f: {  	_ =	shalt  }
0x50: {  	_ =	shalt  }
0x51: {  	_ =	shalt  }
0x52: {  	_ =	shalt  }
0x53: {  	_ =	shalt  }
0x54: {  	_ =	shalt  }
0x55: {  	_ =	shalt  }
0x56: {  	_ =	shalt  }
0x57: {  	_ =	shalt  }
0x58: {  	_ =	shalt  }
0x59: {  	_ =	shalt  }
0x5a: {  	_ =	shalt  }
0x5b: {  	_ =	shalt  }
0x5c: {  	_ =	shalt  }
0x5d: {  	_ =	shalt  }
0x5e: {  	_ =	shalt  }
0x5f: {  	_ =	shalt  }
0x60: {  	_ =	shalt  }
0x61: {  	_ =	shalt  }
0x62: {  	_ =	shalt  }
0x63: {  	_ =	shalt  }
0x64: {  	_ =	shalt  }
0x65: {  	_ =	shalt  }
0x66: {  	_ =	shalt  }
0x67: {  	_ =	shalt  }
0x68: {  	_ =	shalt  }
0x69: {  	_ =	shalt  }
0x6a: {  	_ =	shalt  }
0x6b: {  	_ =	shalt  }
0x6c: {  	_ =	shalt  }
0x6d: {  	_ =	shalt  }
0x6e: {  	_ =	shalt  }
0x6f: {  	_ =	shalt  }
0x70: {  	_ =	shalt  }
0x71: {  	_ =	shalt  }
0x72: {  	_ =	shalt  }
0x73: {  	_ =	shalt  }
0x74: {  	_ =	shalt  }
0x75: {  	_ =	shalt  }
0x76: {  	_ =	shalt  }
0x77: {  	_ =	shalt  }
0x78: {  	_ =	shalt  }
0x79: {  	_ =	shalt  }
0x7a: {  	_ =	shalt  }
0x7b: {  	_ =	shalt  }
0x7c: {  	_ =	shalt  }
0x7d: {  	_ =	shalt  }
0x7e: {  	_ =	shalt  }
0x7f: {  	_ =	shalt  }
0x80: {  	_ =	shalt  }
0x81: {  	_ =	shalt  }
0x82: {  	_ =	shalt  }
0x83: {  	_ =	shalt  }
0x84: {  	_ =	shalt  }
0x85: {  	_ =	shalt  }
0x86: {  	_ =	shalt  }
0x87: {  	_ =	shalt  }
.Lfunc_end0:
.L_simem_size_0:
called_computation_lowered:
.L_overlay_start_0:
0x88: {  	s2 =	sld [smem:$0x3FD9]  }
0x89: {  	s3 =	sld [smem:$0x3FFE];
	_ =	sdelay $0x1  }
0x8a: {  	s1 =	srdreg.scid  }
0x8b: {  	s0 =	sand.u32 $0x1, s1  }
0x8c: {  	s16 =	sshll.u32 s0, $0xA;
	s2 =	sadd.s32 s3, s2  }
0x8d: {  	s2 =	sadd.s32 s2, s16  }
0x8e: {  	[smem:$0x3FC1] =	sst s2  }
0x8f: {  	_ = 	snop  }
0x90: {  	(tm) =	ssettm $0x1  }
0x91: {  	s17 =	sld [smem:$0x3FFB];
	_ =	sdelay $0x3  }
0x92: {  	_ =	strace s17  }
0x93: {  	s2 =	sld [smem:$0x3FFC];
	_ =	sdelay $0x3  }
0x94: {  	_ =	strace s2  }
0x95: {  	s2 =	sld [smem:$0x3FFD];
	_ =	sdelay $0x3  }
0x96: {  	_ =	strace s2  }
0x97: {  	_ =	strace $0x8FFFFFFF  }
0x98: {  	s18 =	sld [smem:$0x3FDB];
	_ =	sdelay $0x1  }
0x99: {  	s19 =	simm.s32 $_scs_section_size  }
0x9a: {  	s4 =	simm.s32 $_size__tile_overlayer_lowered;
	s5 =	simm.s32 $_tile_overlayer_lowered  }
0x9b: {  	s22 =	simm.s32 $0x1BFF;
	s21 =	sshll.u32 s5, $0x1;
	s2 =	sadd.s32 s19, s18  }
0x9c: {  	s6 =	simm.s32 $0x0;
	s20 =	sshll.u32 s4, $0x1;
	s4 =	sadd.s32 s21, s2  }
0x9d: {  	[timem:s6], [sflag:s22] =	dma.local [hbm:s4], s20  }
0x9e: {  	_ =	swait.ge [sflag:s22], s20  }
0x9f: {  	s3 =	ssub.s32 $0x0, s20;
	[sflag:s22] =	ssyncset.done $0x0  }
0xa0: {  	[sflag:s22] =	ssyncadd.s32 s3;
	_ =	sdelay $0x1  }
0xa1: {  	s23 =	simm.s32 $0x1B8B  }
0xa2: {  	_ =	swait.ge [sflag:s23], $0x1  }
0xa3: {  	[sflag:s23] =	ssyncset.done $0x0  }
0xa4: {  	s25 =	simm.s32 $0x1B8E;
	s24 =	sld [smem:$0x3FFE];
	[sflag:s23] =	ssyncadd.s32 $0xFFFFFFFF  }
0xa5: {  	s26 =	simm.s32 $execute0_lowered;
	[smem:$0x3FD2] =	sst s25  }
0xa6: {  	s4 =	sshll.u32 s26, $0x1;
	_ =	strace $0x80000046;
	[dreg:$0x1] =	wrdreg $0xFFFFFFFF  }
0xa7: {  	s28 =	simm.s32 $_size_execute0_lowered;
	s2 =	sadd.s32 s2, s4;
	[dreg:$0x0] =	wrdreg $0x0  }
0xa8: {  	s4 =	sshll.u32 s28, $0x1;
	[dreg:$0x2] =	wrdreg s2  }
0xa9: {  	[dreg:$0x3] =	wrdreg s4  }
0xaa: {  	[dreg:$0x4] =	wrdreg $0xC0  }
0xab: {  	_ =	task [dreg:s6], $0x5FFFF  }
0xac: {  	[dreg:$0x1] =	wrdreg $0xFFFFFFFF  }
0xad: {  	[dreg:$0x0] =	wrdreg $0x60  }
0xae: {  	[dreg:$0x2] =	wrdreg s24  }
0xaf: {  	[dreg:$0x3] =	wrdreg $0x9  }
0xb0: {  	_ =	task.clear_ibuf [dreg:s6], $0x4FFFF;
	_ =	strace $0x90000046  }
0xb1: {  	s29 =	simm.s32 $0x9;
	_ =	strace $0x80000048  }
0xb2: {  	_ =	swait.ge [sflag:s29], $0x1  }
0xb3: {  	[sflag:s29] =	ssyncadd.s32 $0xFFFFFFFF  }
0xb4: {  	_ =	strace $0x90000048  }
0xb5: {  	_ =	sfence  }
0xb6: {  	s30 =	sld [smem:$0x0];
	_ =	sdelay $0x2  }
0xb7: {  	s31 =	sshll.u32 s1, $0xD;
	s1 =	sshrl.u32 s1, $0x2  }
0xb8: {  	s3 =	sand.u32 $0x4000, s31;
	s1 =	sadd.s32 s1, s30  }
0xb9: {  	s0 =	sor.u32 s3, s0;
	s1 =	sshll.u32 s1, $0x11  }
0xba: {  	s0 =	sor.u32 s1, s0  }
0xbb: {  	s0 =	sadd.s32 $0x8F2B, s0  }
0xbc: {  	[sflag:s0] =	ssyncadd.remote.s32 $0x1  }
0xbd: {  	_ =	sfence.sel $0xFFFF  }
0xbe: {  	[dreg:$0x0] =	wrdreg $0xFFFFFFFF;
	(pc) =	sbr.abs _section_cstart, $3  }
0xbf: {  	[dreg:$0x1] =	wrdreg $0xFFFFFFFF  }
0xc0: {  	_ =	task.clear_ibuf [dreg:s6], $0x2FFFF;
	_ =	strace $0x9FFFFFFF  }
0xc1: {  	(tm) =	ssettm $0x7FFFFFFF  }
tec
execute0_lowered:
.L_overlay_start_1:
0x0: {  	(tag) =	ssettag $0x1  }
0x1: {  	s11 =	rddreg [dreg:$0x0]  }
0x2: {  	s0 =	rddreg [dreg:$0x1]  }
0x3: {  	s1 =	stileid.u32;
	s3 =	srdreg.scid;
	s2 =	simm.s32 $0x0  }
0x4: {  	s18 =	simm.s32 $0x0;
	s7 =	sand.u32 $0x1, s3;
	s29 =	sshll.u32 s1, $0x1  }
0x5: {  	[smem:$0x7FF] =	sst s2;
	s3 =	sadd.s32 $0x7CA00, s11;
	s10 =	sshrl.u32 s1, $0x1  }
0x6: {  	s4 =	sadd.s32 $0x19000, s11;
	s8 =	sor.u32 s7, s29;
	s12 =	smul.u32 $0x4B0, s10  }
0x7: {  	_ =	strace $0x80000047;
	s14 =	ssub.s32 $0x2, s7;
	s7 =	smul.u32 $0x4B00, s10  }
0x8: {  	s5 =	sshll.u32 s10, $0x4;
	s10 =	smul.u32 $0x12C0, s10;
	s9 =	sand.u32 $0x3, s8  }
0x9: {  	s13 =	sadd.s32 s5, s11;
	s5 =	sadd.s32 $0x20B200, s11;
	s16 =	smul.u32 $0x12C, s9  }
0xa: {  	s8 =	sshll.u32 s8, $0x4;
	s15 =	sshrl.u32 s14, $0x1;
	s6 =	smul.u32 $0x12C0, s9  }
0xb: {  	s17 =	sadd.s32 s8, s11;
	s8 =	smul.u32 $0x4B0, s9;
	s12 =	sadd.s32 s12, s16  }
0xc: {  	s14 =	ssub.s32 s14, s15;
	s9 =	sadd.s32 $0x20B400, s13;
	s12 =	smul.u32 $0x55, s12  }
0xd: {  	s15 =	simm.s32 $0x1;
	s13 =	smax.u32 s14, $0x1;
	s14 =	simm.s32 $0x8500  }
0xe: {  	v1 =	vmov s16;
	s16 =	simm.s32 $0x8580;
	s30 =	sshrl.u32 s12, $0x3;
	s31 =	sand.u32 $0x4, s12  }
0xf: {  	v2 =	vimm.f32 $0.0e+00;
	v3 =	vlaneseq.u32;
	s12 =	sadd.s32 $0x20B600, s17;
	s17 =	simm.s32 $0x8780;
	s11 =	sadd.s32 s11, s30;
	v0 =	vmov s31  }
.LBB2_1:
0x10: {  	[tilespmem:s14], [sflag:$0x1] =	stream.linear.gather [hbm4b:s9+s2], $0x80, $0x38;
	[tilespmem:$0x8800] =	vst v63  }
0x11: {  	_ =	swait.ge [sflag:s15], $0x80  }
0x12: {  	[sflag:s15] =	ssyncset.done $0x0  }
0x13: {  	[sflag:s15] =	ssyncadd.s32 $0xFFFFFF80  }
0x14: {  	[tilespmem:s16], [sflag:$0x1] =	stream.linear.gather [hbm4b:s5+s2], $0x180, $0x38;
	[tilespmem:$0x8800] =	vst v63  }
0x15: {  	_ =	swait.ge [sflag:s15], $0x180  }
0x16: {  	[sflag:s15] =	ssyncset.done $0x0  }
0x17: {  	[sflag:s15] =	ssyncadd.s32 $0xFFFFFE80  }
0x18: {  	v4 =	vld [tilespmem:$0x8580];
	_ =	sdelay $0x3  }
0x19: {  	v17 =	vld [tilespmem:$0x8500]  }
0x1a: {  	v10 =	vbroadcast v4, $0x3  }
0x1b: {  	v11 =	vbroadcast v4, $0x1;
	v12 =	vbroadcast v4, $0x5  }
0x1c: {  	v13 =	vbroadcast v4, $0x4;
	v14 =	vbroadcast v4, $0x2  }
0x1d: {  	v15 =	vbroadcast v4, $0x6;
	v16 =	vbroadcast v4, $0x0  }
0x1e: {  	v8 =	vbroadcast v17, $0x0;
	v6 =	vbroadcast v17, $0x1  }
0x1f: {  	v9 =	vbroadcast v17, $0x2;
	v7 =	vbroadcast v17, $0x3  }
0x20: {  	s19 =	simm.s32 $0x0;
	[tilespmem:$0x8780] =	vst v2;
	v5 =	vbroadcast v17, $0x4;
	v4 =	vbroadcast v17, $0x5  }
.LBB2_2:
0x21: {  	s20 =	smul.u32 $0x190, s19;
	_ =	sdelay $0x1  }
0x22: {  	s20 =	sadd.s32 s6, s20  }
0x23: {  	s21 =	sadd.s32 s7, s20  }
0x24: {  	s22 =	simm.s32 $0x0;
	s21 =	smul.u32 $0x55, s21  }
0x25: {  	v18 =	vor.u32 s22, v3  }
0x26: {  	v19 =	vmul.u32 $0x55, v18;
	s21 =	sshrl.u32 s21, $0x3  }
0x27: {  	s21 =	sadd.s32 s3, s21  }
0x28: {  	v17 =	vadd.s32 $0x1, v19;
	[tilespmem:s22], [sflag:$0x1] =	stream.linear.gather [hbm4b:s21+s22], $0x84D0, $0x38;
	[tilespmem:$0x8800] =	vst v63  }
0x29: {  	_ =	swait.ge [sflag:s15], $0x84D0  }
0x2a: {  	[sflag:s15] =	ssyncset.done $0x0  }
0x2b: {  	[sflag:s15] =	ssyncadd.s32 $0xFFFF7B30  }
0x2c: {  	v21 =	vld.idx.msk [tilespmem:v19+s2+$0x0], $0xffff  }
0x2d: {  	v20 =	vadd.s32 $0x2, v19;
	v17 =	vld.idx.msk [tilespmem:v17+s2+$0x0], $0xffff  }
0x2e: {  	v22 =	vadd.s32 $0x3, v19;
	_ =	sdelay $0x2  }
0x2f: {  	v21 =	vsub.f32 $0.0e+00, v21  }
0x30: {  	v20 =	vld.idx.msk [tilespmem:v20+s2+$0x0], $0xffff;
	v17 =	vsub.f32 $0.0e+00, v17  }
0x31: {  	v22 =	vld.idx.msk [tilespmem:v22+s2+$0x0], $0xffff;
	v21 =	vmul.f32 $1.442695020e+00, v21  }
0x32: {  	v17 =	vmul.f32 $1.442695020e+00, v17  }
0x33: {  	(erf) = vpow2.f32 v21  }
0x34: {  	(erf) = vpow2.f32 v17  }
0x35: {  	v20 =	vsub.f32 $0.0e+00, v20  }
0x36: {  	v21 =	vsub.f32 $0.0e+00, v22  }
0x37: {  	v20 =	vmul.f32 $1.442695020e+00, v20  }
0x38: {  	v21 =	vmul.f32 $1.442695020e+00, v21  }
0x39: {  	v17 =	vmov s20;
	(erf) = vpow2.f32 v20  }
0x3a: {  	v18 =	vadd.s32 v17, v18;
	(erf) = vpow2.f32 v21  }
0x3b: {  	v18 =	vcvt.s32.f32 v18  }
0x3c: {  	v21 =	vpop (erf)  }
0x3d: {  	v20 =	vmul.f32 $1.250000020e-02, v18;
	v22 =	vpop (erf)  }
0x3e: {  	v22 =	vadd.f32 $1.000000000e+00, v22  }
0x3f: {  	v20 =	vtrunc.f32 v20;
	v21 =	vadd.f32 $1.000000000e+00, v21  }
0x40: {  	v20 =	vcvt.f32.s32 v20  }
0x41: {  	(erf) = vrcp.f32 v21;
	v21 =	vadd.s32 $0x4, v19  }
0x42: {  	v23 =	vcvt.s32.f32 v20;
	(erf) = vrcp.f32 v22;
	v22 =	vpop (erf)  }
0x43: {  	v22 =	vadd.f32 $1.000000000e+00, v22;
	v24 =	vpop (erf)  }
0x44: {  	v25 =	vmul.f32 $1.250000020e-02, v23;
	v24 =	vadd.f32 $1.000000000e+00, v24  }
0x45: {  	(erf) = vrcp.f32 v22  }
0x46: {  	v21 =	vld.idx.msk [tilespmem:v21+s2+$0x0], $0xffff;
	v22 =	vtrunc.f32 v25;
	(erf) = vrcp.f32 v24  }
0x47: {  	v23 =	vmul.f32 $-8.000000000e+01, v23;
	v22 =	vcvt.f32.s32 v22  }
0x48: {  	v19 =	vadd.s32 $0x5, v19  }
0x49: {  	v18 =	vadd.f32 v23, v18;
	vm0 =	veq.s32 v22, $0x1  }
0x4a: {  	vm1 =	veq.s32 v22, $0x2;
	v22 =	vmul.u32 $0xFFFFFFB0, v22;
	v58 =	vpop (erf);
	v23 =	vsel vm0, v10, v11  }
0x4b: {  	v59 =	vsel vm0, v13, v14;
	v24 =	vadd.f32 v58, v58;
	v26 =	vpop (erf);
	v21 =	vsub.f32 $0.0e+00, v21  }
0x4c: {  	v23 =	vsel vm1, v12, v23;
	v25 =	vsel vm1, v15, v59;
	v26 =	vadd.f32 v26, v26  }
0x4d: {  	v19 =	vld.idx.msk [tilespmem:v19+s2+$0x0], $0xffff;
	v20 =	vadd.s32 v20, v22;
	v22 =	vadd.f32 v23, v23;
	v23 =	vadd.f32 $-5.000000000e-01, v24  }
0x4e: {  	v21 =	vmul.f32 $1.442695020e+00, v21;
	v20 =	vcvt.s32.f32 v20;
	v60 =	vadd.f32 $-5.000000000e-01, v26;
	v61 =	vpop (erf)  }
0x4f: {  	v25 =	vadd.f32 v25, v25;
	v18 =	vadd.f32 v23, v18;
	v23 =	vmul.f32 v61, v61;
	v62 =	vpop (erf)  }
0x50: {  	(erf) = vpow2.f32 v21;
	v20 =	vadd.f32 v20, v60;
	v21 =	vmul.f32 v62, v62  }
0x51: {  	v18 =	vmul.f32 v18, v16;
	v22 =	vmul.f32 v23, v22  }
0x52: {  	v19 =	vsub.f32 $0.0e+00, v19;
	v20 =	vmul.f32 v20, v16;
	v21 =	vmul.f32 v21, v25  }
0x53: {  	v23 =	vsub.f32 v18, v22;
	v18 =	vadd.f32 v22, v18  }
0x54: {  	v22 =	vadd.f32 v22, v22;
	v63 =	vsub.f32 v20, v21  }
0x55: {  	v20 =	vadd.f32 v21, v20;
	v21 =	vadd.f32 v21, v21;
	_ =	sdelay $0x1  }
0x56: {  	v23 =	vmax.f32 v23, v8;
	v21 =	vmul.f32 v21, v22;
	v22 =	vmul.f32 $1.442695020e+00, v19  }
0x57: {  	v18 =	vmin.f32 v18, v9;
	v24 =	vmax.f32 v63, v6;
	v20 =	vmin.f32 v20, v7  }
0x58: {  	v18 =	vsub.f32 v18, v23;
	v20 =	vsub.f32 v20, v24;
	(erf) = vpow2.f32 v22;
	_ =	sdelay $0x1  }
0x59: {  	v18 =	vmax.f32 v18, $0.0e+00;
	v19 =	vmax.f32 v20, $0.0e+00  }
0x5a: {  	v19 =	vmul.f32 v19, v18;
	v18 =	vadd.f32 v21, v5;
	_ =	sdelay $0x1  }
0x5b: {  	v20 =	vpop (erf);
	v18 =	vsub.f32 v18, v19  }
0x5c: {  	v20 =	vadd.f32 $1.000000000e+00, v20;
	_ =	sdelay $0x1  }
0x5d: {  	(erf) = vrcp.f32 v20  }
0x5e: {  	(erf) = vrcp.f32 v18;
	v18 =	vpop (erf)  }
0x5f: {  	v18 =	vadd.f32 $1.000000000e+00, v18;
	_ =	sdelay $0x1  }
0x60: {  	(erf) = vrcp.f32 v18;
	_ =	sdelay $0x6  }
0x61: {  	s31 =	simm.s32 $0x10;
	v21 =	vpop (erf)  }
0x62: {  	s20 =	simm.s32 $0x20;
	v20 =	vld [tilespmem:$0x8780];
	v18 =	vor.u32 s31, v3;
	v22 =	vpop (erf)  }
.LBB2_3:
0x63: {  	p0 =	sne.s32 s20, $0x180;
	v23 =	vmul.u32 $0x55, v18;
	v19 =	vmul.f32 v22, v19;
	v22 =	vpop (erf)  }
0x64: {  	v21 =	vmul.f32 v22, v21  }
0x65: {  	v22 =	vadd.s32 $0x1, v23;
	vm0 =	vge.f32 v19, v4  }
0x66: {  	v19 =	vnsel vm0, $0x0, v21  }
0x67: {  	v19 =	vmax.f32 v20, v19  }
0x68: {  	v20 =	vadd.s32 $0x2, v23;
	[tilespmem:$0x8780] =	vst v19  }
0x69: {  	v21 =	vadd.s32 $0x3, v23;
	v19 =	vld.idx.msk [tilespmem:v23+s2+$0x0], $0xffff  }
0x6a: {  	v22 =	vld.idx.msk [tilespmem:v22+s2+$0x0], $0xffff;
	_ =	sdelay $0x2  }
0x6b: {  	v20 =	vld.idx.msk [tilespmem:v20+s2+$0x0], $0xffff  }
0x6c: {  	v21 =	vld.idx.msk [tilespmem:v21+s2+$0x0], $0xffff  }
0x6d: {  	v19 =	vsub.f32 $0.0e+00, v19  }
0x6e: {  	v22 =	vsub.f32 $0.0e+00, v22  }
0x6f: {  	v19 =	vmul.f32 $1.442695020e+00, v19  }
0x70: {  	v22 =	vmul.f32 $1.442695020e+00, v22  }
0x71: {  	v20 =	vsub.f32 $0.0e+00, v20;
	(erf) = vpow2.f32 v19  }
0x72: {  	v19 =	vsub.f32 $0.0e+00, v21;
	(erf) = vpow2.f32 v22  }
0x73: {  	v20 =	vmul.f32 $1.442695020e+00, v20  }
0x74: {  	v19 =	vmul.f32 $1.442695020e+00, v19  }
0x75: {  	v18 =	vadd.s32 v17, v18;
	(erf) = vpow2.f32 v20  }
0x76: {  	v18 =	vcvt.s32.f32 v18;
	(erf) = vpow2.f32 v19;
	_ =	sdelay $0x1  }
0x77: {  	v19 =	vmul.f32 $1.250000020e-02, v18;
	_ =	sdelay $0x1  }
0x78: {  	v19 =	vtrunc.f32 v19;
	v20 =	vpop (erf)  }
0x79: {  	v19 =	vcvt.f32.s32 v19;
	v25 =	vadd.f32 $1.000000000e+00, v20;
	v21 =	vpop (erf)  }
0x7a: {  	v22 =	vadd.s32 $0x4, v23;
	v21 =	vadd.f32 $1.000000000e+00, v21  }
0x7b: {  	v24 =	vcvt.s32.f32 v19;
	(erf) = vrcp.f32 v25  }
0x7c: {  	(erf) = vrcp.f32 v21;
	v20 =	vpop (erf)  }
0x7d: {  	v21 =	vadd.s32 $0x5, v23;
	v23 =	vmul.f32 $1.250000020e-02, v24;
	v20 =	vadd.f32 $1.000000000e+00, v20;
	v25 =	vpop (erf)  }
0x7e: {  	v25 =	vadd.f32 $1.000000000e+00, v25  }
0x7f: {  	v23 =	vtrunc.f32 v23;
	v22 =	vld.idx.msk [tilespmem:v22+s2+$0x0], $0xffff;
	(erf) = vrcp.f32 v20  }
0x80: {  	v20 =	vcvt.f32.s32 v23;
	(erf) = vrcp.f32 v25  }
0x81: {  	v23 =	vmul.f32 $-8.000000000e+01, v24  }
0x82: {  	vm0 =	veq.s32 v20, $0x1;
	v21 =	vld.idx.msk [tilespmem:v21+s2+$0x0], $0xffff  }
0x83: {  	v18 =	vadd.f32 v23, v18;
	vm1 =	veq.s32 v20, $0x2;
	v23 =	vsel vm0, v10, v11  }
0x84: {  	v20 =	vmul.u32 $0xFFFFFFB0, v20;
	v24 =	vsel vm0, v13, v14;
	v23 =	vsel vm1, v12, v23;
	v25 =	vpop (erf)  }
0x85: {  	v24 =	vsel vm1, v15, v24;
	v22 =	vsub.f32 $0.0e+00, v22;
	v25 =	vadd.f32 v25, v25;
	v26 =	vpop (erf)  }
0x86: {  	v19 =	vadd.s32 v19, v20;
	v23 =	vadd.f32 v23, v23;
	v20 =	vadd.f32 v26, v26  }
0x87: {  	v24 =	vadd.f32 v24, v24;
	v22 =	vmul.f32 $1.442695020e+00, v22;
	v25 =	vadd.f32 $-5.000000000e-01, v25  }
0x88: {  	v19 =	vcvt.s32.f32 v19;
	v21 =	vsub.f32 $0.0e+00, v21;
	v20 =	vadd.f32 $-5.000000000e-01, v20;
	v26 =	vpop (erf)  }
0x89: {  	v18 =	vadd.f32 v25, v18;
	v25 =	vmul.f32 v26, v26;
	v26 =	vpop (erf);
	(erf) = vpow2.f32 v22  }
0x8a: {  	v21 =	vmul.f32 $1.442695020e+00, v21;
	v19 =	vadd.f32 v19, v20;
	v20 =	vmul.f32 v26, v26  }
0x8b: {  	v18 =	vmul.f32 v18, v16;
	v22 =	vmul.f32 v25, v23  }
0x8c: {  	v19 =	vmul.f32 v19, v16;
	v20 =	vmul.f32 v20, v24  }
0x8d: {  	v23 =	vsub.f32 v18, v22;
	v18 =	vadd.f32 v22, v18;
	(erf) = vpow2.f32 v21  }
0x8e: {  	v21 =	vsub.f32 v19, v20;
	v19 =	vadd.f32 v20, v19  }
0x8f: {  	v22 =	vadd.f32 v22, v22;
	v23 =	vmax.f32 v23, v8;
	v18 =	vmin.f32 v18, v9  }
0x90: {  	v20 =	vadd.f32 v20, v20;
	v24 =	vmax.f32 v21, v6;
	v19 =	vmin.f32 v19, v7  }
0x91: {  	v18 =	vsub.f32 v18, v23;
	v19 =	vsub.f32 v19, v24  }
0x92: {  	v20 =	vmul.f32 v20, v22;
	v21 =	vpop (erf)  }
0x93: {  	v18 =	vmax.f32 v18, $0.0e+00;
	v19 =	vmax.f32 v19, $0.0e+00  }
0x94: {  	v19 =	vmul.f32 v19, v18;
	v18 =	vadd.f32 v20, v5  }
0x95: {  	v20 =	vadd.f32 $1.000000000e+00, v21  }
0x96: {  	v18 =	vsub.f32 v18, v19;
	v21 =	vpop (erf)  }
0x97: {  	v21 =	vadd.f32 $1.000000000e+00, v21;
	(erf) = vrcp.f32 v20  }
0x98: {  	(erf) = vrcp.f32 v18  }
0x99: {  	(erf) = vrcp.f32 v21;
	_ =	sdelay $0x3  }
.Ltmp0:
0x9a: {  	(pc) =	sbr.rel @p0 .LBB2_3-.Ltmp0, $3  }
0x9b: {  	_ =	sdelay $0x1  }
0x9c: {  	v21 =	vpop (erf)  }
0x9d: {  	v18 =	vor.u32 s20, v3;
	s20 =	sadd.s32 $0x10, s20;
	v20 =	vld [tilespmem:$0x8780];
	v22 =	vpop (erf)  }
0x9e: {  	v23 =	vmul.u32 $0x55, v18;
	v19 =	vmul.f32 v22, v19;
	v41 =	vpop (erf)  }
0x9f: {  	v21 =	vmul.f32 v41, v21  }
0xa0: {  	vm0 =	vge.f32 v19, v4  }
0xa1: {  	v42 =	vadd.s32 $0x1, v23;
	v19 =	vnsel vm0, $0x0, v21  }
0xa2: {  	v19 =	vmax.f32 v20, v19  }
0xa3: {  	[tilespmem:$0x8780] =	vst v19  }
0xa4: {  	v43 =	vadd.s32 $0x2, v23;
	v19 =	vld.idx.msk [tilespmem:v23+s2+$0x0], $0xffff  }
0xa5: {  	v44 =	vadd.s32 $0x3, v23  }
0xa6: {  	v22 =	vld.idx.msk [tilespmem:v42+s2+$0x0], $0xffff;
	_ =	sdelay $0x2  }
0xa7: {  	v20 =	vld.idx.msk [tilespmem:v43+s2+$0x0], $0xffff;
	v19 =	vsub.f32 $0.0e+00, v19  }
0xa8: {  	v21 =	vld.idx.msk [tilespmem:v44+s2+$0x0], $0xffff  }
0xa9: {  	v22 =	vsub.f32 $0.0e+00, v22;
	v19 =	vmul.f32 $1.442695020e+00, v19;
	_ =	sdelay $0x1  }
0xaa: {  	v22 =	vmul.f32 $1.442695020e+00, v22;
	(erf) = vpow2.f32 v19  }
0xab: {  	v20 =	vsub.f32 $0.0e+00, v20  }
0xac: {  	v19 =	vsub.f32 $0.0e+00, v21;
	(erf) = vpow2.f32 v22  }
0xad: {  	v20 =	vmul.f32 $1.442695020e+00, v20  }
0xae: {  	v19 =	vmul.f32 $1.442695020e+00, v19  }
0xaf: {  	(erf) = vpow2.f32 v20  }
0xb0: {  	v17 =	vadd.s32 v17, v18;
	(erf) = vpow2.f32 v19  }
0xb1: {  	v17 =	vcvt.s32.f32 v17;
	_ =	sdelay $0x1  }
0xb2: {  	v18 =	vmul.f32 $1.250000020e-02, v17;
	v19 =	vpop (erf)  }
0xb3: {  	v19 =	vadd.f32 $1.000000000e+00, v19  }
0xb4: {  	v46 =	vadd.s32 $0x4, v23;
	v18 =	vtrunc.f32 v18;
	v23 =	vadd.s32 $0x5, v23;
	v45 =	vpop (erf)  }
0xb5: {  	v18 =	vcvt.f32.s32 v18;
	v20 =	vadd.f32 $1.000000000e+00, v45  }
0xb6: {  	(erf) = vrcp.f32 v19  }
0xb7: {  	v47 =	vcvt.s32.f32 v18;
	(erf) = vrcp.f32 v20;
	v19 =	vpop (erf)  }
0xb8: {  	v19 =	vadd.f32 $1.000000000e+00, v19;
	v24 =	vpop (erf)  }
0xb9: {  	v48 =	vmul.f32 $1.250000020e-02, v47;
	v50 =	vld.idx.msk [tilespmem:v23+s2+$0x0], $0xffff;
	v24 =	vadd.f32 $1.000000000e+00, v24  }
0xba: {  	v49 =	vmul.f32 $-8.000000000e+01, v47;
	(erf) = vrcp.f32 v19  }
0xbb: {  	v20 =	vtrunc.f32 v48;
	v19 =	vld.idx.msk [tilespmem:v46+s2+$0x0], $0xffff;
	(erf) = vrcp.f32 v24  }
0xbc: {  	v20 =	vcvt.f32.s32 v20  }
0xbd: {  	v17 =	vadd.f32 v49, v17  }
0xbe: {  	v22 =	vsub.f32 $0.0e+00, v50;
	vm14 =	veq.s32 v20, $0x1;
	vm1 =	veq.s32 v20, $0x2  }
0xbf: {  	v20 =	vmul.u32 $0xFFFFFFB0, v20;
	v51 =	vsel vm14, v10, v11;
	v52 =	vsel vm14, v13, v14;
	v53 =	vpop (erf)  }
0xc0: {  	v21 =	vsel vm1, v12, v51;
	v19 =	vsub.f32 $0.0e+00, v19;
	v24 =	vadd.f32 v53, v53;
	v25 =	vpop (erf)  }
0xc1: {  	v23 =	vsel vm1, v15, v52;
	v18 =	vadd.s32 v18, v20;
	v54 =	vadd.f32 v25, v25  }
0xc2: {  	v21 =	vadd.f32 v21, v21;
	v19 =	vmul.f32 $1.442695020e+00, v19;
	v24 =	vadd.f32 $-5.000000000e-01, v24  }
0xc3: {  	v23 =	vadd.f32 v23, v23;
	v18 =	vcvt.s32.f32 v18;
	v20 =	vadd.f32 $-5.000000000e-01, v54;
	v55 =	vpop (erf)  }
0xc4: {  	v17 =	vadd.f32 v24, v17;
	(erf) = vpow2.f32 v19;
	v56 =	vmul.f32 v55, v55;
	v57 =	vpop (erf)  }
0xc5: {  	v19 =	vmul.f32 $1.442695020e+00, v22;
	v18 =	vadd.f32 v18, v20;
	v58 =	vmul.f32 v57, v57  }
0xc6: {  	v17 =	vmul.f32 v17, v16;
	v21 =	vmul.f32 v56, v21  }
0xc7: {  	v18 =	vmul.f32 v18, v16;
	v20 =	vmul.f32 v58, v23  }
0xc8: {  	(erf) = vpow2.f32 v19;
	v59 =	vsub.f32 v17, v21;
	v17 =	vadd.f32 v21, v17  }
0xc9: {  	v19 =	vsub.f32 v18, v20;
	v18 =	vadd.f32 v20, v18  }
0xca: {  	v21 =	vadd.f32 v21, v21;
	v20 =	vadd.f32 v20, v20;
	v22 =	vmax.f32 v59, v8  }
0xcb: {  	v17 =	vmin.f32 v17, v9;
	v19 =	vmax.f32 v19, v6;
	v18 =	vmin.f32 v18, v7  }
0xcc: {  	v17 =	vsub.f32 v17, v22;
	v18 =	vsub.f32 v18, v19  }
0xcd: {  	v19 =	vmul.f32 v20, v21  }
0xce: {  	v17 =	vmax.f32 v17, $0.0e+00;
	v18 =	vmax.f32 v18, $0.0e+00  }
0xcf: {  	v60 =	vpop (erf);
	v17 =	vmul.f32 v18, v17;
	v18 =	vadd.f32 v19, v5  }
0xd0: {  	v19 =	vadd.f32 $1.000000000e+00, v60  }
0xd1: {  	v61 =	vpop (erf);
	v18 =	vsub.f32 v18, v17  }
0xd2: {  	v20 =	vadd.f32 $1.000000000e+00, v61;
	(erf) = vrcp.f32 v19  }
0xd3: {  	(erf) = vrcp.f32 v18  }
0xd4: {  	(erf) = vrcp.f32 v20;
	_ =	sdelay $0x6  }
0xd5: {  	v18 =	vpop (erf)  }
0xd6: {  	s19 =	sadd.s32 $0x1, s19;
	v19 =	vld [tilespmem:$0x8780];
	v62 =	vpop (erf)  }
0xd7: {  	p0 =	sne.s32 s19, $0xC;
	v17 =	vmul.f32 v62, v17;
	v63 =	vpop (erf)  }
.Ltmp1:
0xd8: {  	v18 =	vmul.f32 v63, v18;
	(pc) =	sbr.rel @p0 .LBB2_2-.Ltmp1, $4  }
0xd9: {  	vm15 =	vge.f32 v17, v4  }
0xda: {  	v17 =	vnsel vm15, $0x0, v18  }
0xdb: {  	v17 =	vmax.f32 v19, v17  }
0xdc: {  	[tilespmem:$0x8780] =	vst v17  }
0xdd: {  	v16 =	vld [tilespmem:$0x8600];
	_ =	sdelay $0x4  }
0xde: {  	v10 =	vbroadcast v16, $0x3  }
0xdf: {  	v11 =	vbroadcast v16, $0x1;
	v12 =	vbroadcast v16, $0x5  }
0xe0: {  	v13 =	vbroadcast v16, $0x4;
	v14 =	vbroadcast v16, $0x2  }
0xe1: {  	s19 =	simm.s32 $0x0;
	s20 =	simm.s32 $0x0;
	v15 =	vbroadcast v16, $0x6;
	v16 =	vbroadcast v16, $0x0  }
.LBB2_6:
0xe2: {  	s21 =	smul.u32 $0x190, s20;
	_ =	sdelay $0x1  }
0xe3: {  	s21 =	sadd.s32 s8, s21  }
0xe4: {  	s22 =	sadd.s32 s10, s21  }
0xe5: {  	s22 =	smul.u32 $0x55, s22  }
0xe6: {  	v18 =	vor.u32 s19, v3  }
0xe7: {  	v19 =	vmul.u32 $0x55, v18;
	s22 =	sshrl.u32 s22, $0x3  }
0xe8: {  	s22 =	sadd.s32 s4, s22  }
0xe9: {  	v17 =	vadd.s32 $0x1, v19;
	[tilespmem:s19], [sflag:$0x1] =	stream.linear.gather [hbm4b:s22+s19], $0x84D0, $0x38;
	[tilespmem:$0x8800] =	vst v63  }
0xea: {  	_ =	swait.ge [sflag:s15], $0x84D0  }
0xeb: {  	[sflag:s15] =	ssyncset.done $0x0  }
0xec: {  	[sflag:s15] =	ssyncadd.s32 $0xFFFF7B30  }
0xed: {  	v21 =	vld.idx.msk [tilespmem:v19+s2+$0x0], $0xffff  }
0xee: {  	v20 =	vadd.s32 $0x2, v19;
	v17 =	vld.idx.msk [tilespmem:v17+s2+$0x0], $0xffff  }
0xef: {  	v22 =	vadd.s32 $0x3, v19;
	_ =	sdelay $0x2  }
0xf0: {  	v21 =	vsub.f32 $0.0e+00, v21  }
0xf1: {  	v20 =	vld.idx.msk [tilespmem:v20+s2+$0x0], $0xffff;
	v17 =	vsub.f32 $0.0e+00, v17  }
0xf2: {  	v22 =	vld.idx.msk [tilespmem:v22+s2+$0x0], $0xffff;
	v21 =	vmul.f32 $1.442695020e+00, v21  }
0xf3: {  	v17 =	vmul.f32 $1.442695020e+00, v17  }
0xf4: {  	(erf) = vpow2.f32 v21  }
0xf5: {  	(erf) = vpow2.f32 v17  }
0xf6: {  	v20 =	vsub.f32 $0.0e+00, v20  }
0xf7: {  	v21 =	vsub.f32 $0.0e+00, v22  }
0xf8: {  	v20 =	vmul.f32 $1.442695020e+00, v20  }
0xf9: {  	v21 =	vmul.f32 $1.442695020e+00, v21  }
0xfa: {  	v17 =	vmov s21;
	(erf) = vpow2.f32 v20  }
0xfb: {  	v18 =	vadd.s32 v17, v18;
	(erf) = vpow2.f32 v21  }
0xfc: {  	v18 =	vcvt.s32.f32 v18  }
0xfd: {  	v21 =	vpop (erf)  }
0xfe: {  	v20 =	vmul.f32 $2.500000040e-02, v18;
	v22 =	vpop (erf)  }
0xff: {  	v22 =	vadd.f32 $1.000000000e+00, v22  }
0x100: {  	v20 =	vtrunc.f32 v20;
	v21 =	vadd.f32 $1.000000000e+00, v21  }
0x101: {  	v20 =	vcvt.f32.s32 v20  }
0x102: {  	(erf) = vrcp.f32 v21;
	v21 =	vadd.s32 $0x4, v19  }
0x103: {  	v23 =	vcvt.s32.f32 v20;
	(erf) = vrcp.f32 v22;
	v22 =	vpop (erf)  }
0x104: {  	v22 =	vadd.f32 $1.000000000e+00, v22;
	v24 =	vpop (erf)  }
0x105: {  	v25 =	vmul.f32 $2.500000040e-02, v23;
	v24 =	vadd.f32 $1.000000000e+00, v24  }
0x106: {  	(erf) = vrcp.f32 v22  }
0x107: {  	v21 =	vld.idx.msk [tilespmem:v21+s2+$0x0], $0xffff;
	v22 =	vtrunc.f32 v25;
	(erf) = vrcp.f32 v24  }
0x108: {  	v23 =	vmul.f32 $-4.000000000e+01, v23;
	v22 =	vcvt.f32.s32 v22  }
0x109: {  	v19 =	vadd.s32 $0x5, v19  }
0x10a: {  	v18 =	vadd.f32 v23, v18;
	vm0 =	veq.s32 v22, $0x1  }
0x10b: {  	vm1 =	veq.s32 v22, $0x2;
	v22 =	vmul.u32 $0xFFFFFFD8, v22;
	v58 =	vpop (erf);
	v23 =	vsel vm0, v10, v11  }
0x10c: {  	v59 =	vsel vm0, v13, v14;
	v24 =	vadd.f32 v58, v58;
	v26 =	vpop (erf);
	v21 =	vsub.f32 $0.0e+00, v21  }
0x10d: {  	v23 =	vsel vm1, v12, v23;
	v25 =	vsel vm1, v15, v59;
	v26 =	vadd.f32 v26, v26  }
0x10e: {  	v19 =	vld.idx.msk [tilespmem:v19+s2+$0x0], $0xffff;
	v20 =	vadd.s32 v20, v22;
	v22 =	vadd.f32 v23, v23;
	v23 =	vadd.f32 $-5.000000000e-01, v24  }
0x10f: {  	v21 =	vmul.f32 $1.442695020e+00, v21;
	v20 =	vcvt.s32.f32 v20;
	v60 =	vadd.f32 $-5.000000000e-01, v26;
	v61 =	vpop (erf)  }
0x110: {  	v25 =	vadd.f32 v25, v25;
	v18 =	vadd.f32 v23, v18;
	v23 =	vmul.f32 v61, v61;
	v62 =	vpop (erf)  }
0x111: {  	(erf) = vpow2.f32 v21;
	v20 =	vadd.f32 v20, v60;
	v21 =	vmul.f32 v62, v62  }
0x112: {  	v18 =	vmul.f32 v18, v16;
	v22 =	vmul.f32 v23, v22  }
0x113: {  	v19 =	vsub.f32 $0.0e+00, v19;
	v20 =	vmul.f32 v20, v16;
	v21 =	vmul.f32 v21, v25  }
0x114: {  	v23 =	vsub.f32 v18, v22;
	v18 =	vadd.f32 v22, v18  }
0x115: {  	v22 =	vadd.f32 v22, v22;
	v63 =	vsub.f32 v20, v21  }
0x116: {  	v20 =	vadd.f32 v21, v20;
	v21 =	vadd.f32 v21, v21;
	_ =	sdelay $0x1  }
0x117: {  	v23 =	vmax.f32 v23, v8;
	v21 =	vmul.f32 v21, v22;
	v22 =	vmul.f32 $1.442695020e+00, v19  }
0x118: {  	v18 =	vmin.f32 v18, v9;
	v24 =	vmax.f32 v63, v6;
	v20 =	vmin.f32 v20, v7  }
0x119: {  	v18 =	vsub.f32 v18, v23;
	v20 =	vsub.f32 v20, v24;
	(erf) = vpow2.f32 v22;
	_ =	sdelay $0x1  }
0x11a: {  	v18 =	vmax.f32 v18, $0.0e+00;
	v19 =	vmax.f32 v20, $0.0e+00  }
0x11b: {  	v19 =	vmul.f32 v19, v18;
	v18 =	vadd.f32 v21, v5;
	_ =	sdelay $0x1  }
0x11c: {  	v20 =	vpop (erf);
	v18 =	vsub.f32 v18, v19  }
0x11d: {  	v20 =	vadd.f32 $1.000000000e+00, v20;
	_ =	sdelay $0x1  }
0x11e: {  	(erf) = vrcp.f32 v20  }
0x11f: {  	(erf) = vrcp.f32 v18;
	v18 =	vpop (erf)  }
0x120: {  	v18 =	vadd.f32 $1.000000000e+00, v18;
	_ =	sdelay $0x1  }
0x121: {  	(erf) = vrcp.f32 v18;
	_ =	sdelay $0x6  }
0x122: {  	s31 =	simm.s32 $0x10;
	v21 =	vpop (erf)  }
0x123: {  	s21 =	simm.s32 $0x20;
	v20 =	vld [tilespmem:$0x8780];
	v18 =	vor.u32 s31, v3;
	v22 =	vpop (erf)  }
.LBB2_7:
0x124: {  	p0 =	sne.s32 s21, $0x180;
	v23 =	vmul.u32 $0x55, v18;
	v19 =	vmul.f32 v22, v19;
	v22 =	vpop (erf)  }
0x125: {  	v21 =	vmul.f32 v22, v21  }
0x126: {  	v22 =	vadd.s32 $0x1, v23;
	vm0 =	vge.f32 v19, v4  }
0x127: {  	v19 =	vnsel vm0, $0x0, v21  }
0x128: {  	v19 =	vmax.f32 v20, v19  }
0x129: {  	v20 =	vadd.s32 $0x2, v23;
	[tilespmem:$0x8780] =	vst v19  }
0x12a: {  	v21 =	vadd.s32 $0x3, v23;
	v19 =	vld.idx.msk [tilespmem:v23+s2+$0x0], $0xffff  }
0x12b: {  	v22 =	vld.idx.msk [tilespmem:v22+s2+$0x0], $0xffff;
	_ =	sdelay $0x2  }
0x12c: {  	v20 =	vld.idx.msk [tilespmem:v20+s2+$0x0], $0xffff  }
0x12d: {  	v21 =	vld.idx.msk [tilespmem:v21+s2+$0x0], $0xffff  }
0x12e: {  	v19 =	vsub.f32 $0.0e+00, v19  }
0x12f: {  	v22 =	vsub.f32 $0.0e+00, v22  }
0x130: {  	v19 =	vmul.f32 $1.442695020e+00, v19  }
0x131: {  	v22 =	vmul.f32 $1.442695020e+00, v22  }
0x132: {  	v20 =	vsub.f32 $0.0e+00, v20;
	(erf) = vpow2.f32 v19  }
0x133: {  	v19 =	vsub.f32 $0.0e+00, v21;
	(erf) = vpow2.f32 v22  }
0x134: {  	v20 =	vmul.f32 $1.442695020e+00, v20  }
0x135: {  	v19 =	vmul.f32 $1.442695020e+00, v19  }
0x136: {  	v18 =	vadd.s32 v17, v18;
	(erf) = vpow2.f32 v20  }
0x137: {  	v18 =	vcvt.s32.f32 v18;
	(erf) = vpow2.f32 v19;
	_ =	sdelay $0x1  }
0x138: {  	v19 =	vmul.f32 $2.500000040e-02, v18;
	_ =	sdelay $0x1  }
0x139: {  	v19 =	vtrunc.f32 v19;
	v20 =	vpop (erf)  }
0x13a: {  	v19 =	vcvt.f32.s32 v19;
	v25 =	vadd.f32 $1.000000000e+00, v20;
	v21 =	vpop (erf)  }
0x13b: {  	v22 =	vadd.s32 $0x4, v23;
	v21 =	vadd.f32 $1.000000000e+00, v21  }
0x13c: {  	v24 =	vcvt.s32.f32 v19;
	(erf) = vrcp.f32 v25  }
0x13d: {  	(erf) = vrcp.f32 v21;
	v20 =	vpop (erf)  }
0x13e: {  	v21 =	vadd.s32 $0x5, v23;
	v23 =	vmul.f32 $2.500000040e-02, v24;
	v20 =	vadd.f32 $1.000000000e+00, v20;
	v25 =	vpop (erf)  }
0x13f: {  	v25 =	vadd.f32 $1.000000000e+00, v25  }
0x140: {  	v23 =	vtrunc.f32 v23;
	v22 =	vld.idx.msk [tilespmem:v22+s2+$0x0], $0xffff;
	(erf) = vrcp.f32 v20  }
0x141: {  	v20 =	vcvt.f32.s32 v23;
	(erf) = vrcp.f32 v25  }
0x142: {  	v23 =	vmul.f32 $-4.000000000e+01, v24  }
0x143: {  	vm0 =	veq.s32 v20, $0x1;
	v21 =	vld.idx.msk [tilespmem:v21+s2+$0x0], $0xffff  }
0x144: {  	v18 =	vadd.f32 v23, v18;
	vm1 =	veq.s32 v20, $0x2;
	v23 =	vsel vm0, v10, v11  }
0x145: {  	v20 =	vmul.u32 $0xFFFFFFD8, v20;
	v24 =	vsel vm0, v13, v14;
	v23 =	vsel vm1, v12, v23;
	v25 =	vpop (erf)  }
0x146: {  	v24 =	vsel vm1, v15, v24;
	v22 =	vsub.f32 $0.0e+00, v22;
	v25 =	vadd.f32 v25, v25;
	v26 =	vpop (erf)  }
0x147: {  	v19 =	vadd.s32 v19, v20;
	v23 =	vadd.f32 v23, v23;
	v20 =	vadd.f32 v26, v26  }
0x148: {  	v24 =	vadd.f32 v24, v24;
	v22 =	vmul.f32 $1.442695020e+00, v22;
	v25 =	vadd.f32 $-5.000000000e-01, v25  }
0x149: {  	v19 =	vcvt.s32.f32 v19;
	v21 =	vsub.f32 $0.0e+00, v21;
	v20 =	vadd.f32 $-5.000000000e-01, v20;
	v26 =	vpop (erf)  }
0x14a: {  	v18 =	vadd.f32 v25, v18;
	v25 =	vmul.f32 v26, v26;
	v26 =	vpop (erf);
	(erf) = vpow2.f32 v22  }
0x14b: {  	v21 =	vmul.f32 $1.442695020e+00, v21;
	v19 =	vadd.f32 v19, v20;
	v20 =	vmul.f32 v26, v26  }
0x14c: {  	v18 =	vmul.f32 v18, v16;
	v22 =	vmul.f32 v25, v23  }
0x14d: {  	v19 =	vmul.f32 v19, v16;
	v20 =	vmul.f32 v20, v24  }
0x14e: {  	v23 =	vsub.f32 v18, v22;
	v18 =	vadd.f32 v22, v18;
	(erf) = vpow2.f32 v21  }
0x14f: {  	v21 =	vsub.f32 v19, v20;
	v19 =	vadd.f32 v20, v19  }
0x150: {  	v22 =	vadd.f32 v22, v22;
	v23 =	vmax.f32 v23, v8;
	v18 =	vmin.f32 v18, v9  }
0x151: {  	v20 =	vadd.f32 v20, v20;
	v24 =	vmax.f32 v21, v6;
	v19 =	vmin.f32 v19, v7  }
0x152: {  	v18 =	vsub.f32 v18, v23;
	v19 =	vsub.f32 v19, v24  }
0x153: {  	v20 =	vmul.f32 v20, v22;
	v21 =	vpop (erf)  }
0x154: {  	v18 =	vmax.f32 v18, $0.0e+00;
	v19 =	vmax.f32 v19, $0.0e+00  }
0x155: {  	v19 =	vmul.f32 v19, v18;
	v18 =	vadd.f32 v20, v5  }
0x156: {  	v20 =	vadd.f32 $1.000000000e+00, v21  }
0x157: {  	v18 =	vsub.f32 v18, v19;
	v21 =	vpop (erf)  }
0x158: {  	v21 =	vadd.f32 $1.000000000e+00, v21;
	(erf) = vrcp.f32 v20  }
0x159: {  	(erf) = vrcp.f32 v18  }
0x15a: {  	(erf) = vrcp.f32 v21;
	_ =	sdelay $0x3  }
.Ltmp2:
0x15b: {  	(pc) =	sbr.rel @p0 .LBB2_7-.Ltmp2, $3  }
0x15c: {  	_ =	sdelay $0x1  }
0x15d: {  	v21 =	vpop (erf)  }
0x15e: {  	v18 =	vor.u32 s21, v3;
	s21 =	sadd.s32 $0x10, s21;
	v20 =	vld [tilespmem:$0x8780];
	v22 =	vpop (erf)  }
0x15f: {  	v23 =	vmul.u32 $0x55, v18;
	v19 =	vmul.f32 v22, v19;
	v41 =	vpop (erf)  }
0x160: {  	v21 =	vmul.f32 v41, v21  }
0x161: {  	vm0 =	vge.f32 v19, v4  }
0x162: {  	v42 =	vadd.s32 $0x1, v23;
	v19 =	vnsel vm0, $0x0, v21  }
0x163: {  	v19 =	vmax.f32 v20, v19  }
0x164: {  	[tilespmem:$0x8780] =	vst v19  }
0x165: {  	v43 =	vadd.s32 $0x2, v23;
	v19 =	vld.idx.msk [tilespmem:v23+s2+$0x0], $0xffff  }
0x166: {  	v44 =	vadd.s32 $0x3, v23  }
0x167: {  	v22 =	vld.idx.msk [tilespmem:v42+s2+$0x0], $0xffff;
	_ =	sdelay $0x2  }
0x168: {  	v20 =	vld.idx.msk [tilespmem:v43+s2+$0x0], $0xffff;
	v19 =	vsub.f32 $0.0e+00, v19  }
0x169: {  	v21 =	vld.idx.msk [tilespmem:v44+s2+$0x0], $0xffff  }
0x16a: {  	v22 =	vsub.f32 $0.0e+00, v22;
	v19 =	vmul.f32 $1.442695020e+00, v19;
	_ =	sdelay $0x1  }
0x16b: {  	v22 =	vmul.f32 $1.442695020e+00, v22;
	(erf) = vpow2.f32 v19  }
0x16c: {  	v20 =	vsub.f32 $0.0e+00, v20  }
0x16d: {  	v19 =	vsub.f32 $0.0e+00, v21;
	(erf) = vpow2.f32 v22  }
0x16e: {  	v20 =	vmul.f32 $1.442695020e+00, v20  }
0x16f: {  	v19 =	vmul.f32 $1.442695020e+00, v19  }
0x170: {  	(erf) = vpow2.f32 v20  }
0x171: {  	v17 =	vadd.s32 v17, v18;
	(erf) = vpow2.f32 v19  }
0x172: {  	v17 =	vcvt.s32.f32 v17;
	_ =	sdelay $0x1  }
0x173: {  	v18 =	vmul.f32 $2.500000040e-02, v17;
	v19 =	vpop (erf)  }
0x174: {  	v19 =	vadd.f32 $1.000000000e+00, v19  }
0x175: {  	v46 =	vadd.s32 $0x4, v23;
	v18 =	vtrunc.f32 v18;
	v23 =	vadd.s32 $0x5, v23;
	v45 =	vpop (erf)  }
0x176: {  	v18 =	vcvt.f32.s32 v18;
	v20 =	vadd.f32 $1.000000000e+00, v45  }
0x177: {  	(erf) = vrcp.f32 v19  }
0x178: {  	v47 =	vcvt.s32.f32 v18;
	(erf) = vrcp.f32 v20;
	v19 =	vpop (erf)  }
0x179: {  	v19 =	vadd.f32 $1.000000000e+00, v19;
	v24 =	vpop (erf)  }
0x17a: {  	v48 =	vmul.f32 $2.500000040e-02, v47;
	v50 =	vld.idx.msk [tilespmem:v23+s2+$0x0], $0xffff;
	v24 =	vadd.f32 $1.000000000e+00, v24  }
0x17b: {  	v49 =	vmul.f32 $-4.000000000e+01, v47;
	(erf) = vrcp.f32 v19  }
0x17c: {  	v20 =	vtrunc.f32 v48;
	v19 =	vld.idx.msk [tilespmem:v46+s2+$0x0], $0xffff;
	(erf) = vrcp.f32 v24  }
0x17d: {  	v20 =	vcvt.f32.s32 v20  }
0x17e: {  	v17 =	vadd.f32 v49, v17  }
0x17f: {  	v22 =	vsub.f32 $0.0e+00, v50;
	vm14 =	veq.s32 v20, $0x1;
	vm1 =	veq.s32 v20, $0x2  }
0x180: {  	v20 =	vmul.u32 $0xFFFFFFD8, v20;
	v51 =	vsel vm14, v10, v11;
	v52 =	vsel vm14, v13, v14;
	v53 =	vpop (erf)  }
0x181: {  	v21 =	vsel vm1, v12, v51;
	v19 =	vsub.f32 $0.0e+00, v19;
	v24 =	vadd.f32 v53, v53;
	v25 =	vpop (erf)  }
0x182: {  	v23 =	vsel vm1, v15, v52;
	v18 =	vadd.s32 v18, v20;
	v54 =	vadd.f32 v25, v25  }
0x183: {  	v21 =	vadd.f32 v21, v21;
	v19 =	vmul.f32 $1.442695020e+00, v19;
	v24 =	vadd.f32 $-5.000000000e-01, v24  }
0x184: {  	v23 =	vadd.f32 v23, v23;
	v18 =	vcvt.s32.f32 v18;
	v20 =	vadd.f32 $-5.000000000e-01, v54;
	v55 =	vpop (erf)  }
0x185: {  	v17 =	vadd.f32 v24, v17;
	(erf) = vpow2.f32 v19;
	v56 =	vmul.f32 v55, v55;
	v57 =	vpop (erf)  }
0x186: {  	v19 =	vmul.f32 $1.442695020e+00, v22;
	v18 =	vadd.f32 v18, v20;
	v58 =	vmul.f32 v57, v57  }
0x187: {  	v17 =	vmul.f32 v17, v16;
	v21 =	vmul.f32 v56, v21  }
0x188: {  	v18 =	vmul.f32 v18, v16;
	v20 =	vmul.f32 v58, v23  }
0x189: {  	(erf) = vpow2.f32 v19;
	v59 =	vsub.f32 v17, v21;
	v17 =	vadd.f32 v21, v17  }
0x18a: {  	v19 =	vsub.f32 v18, v20;
	v18 =	vadd.f32 v20, v18  }
0x18b: {  	v21 =	vadd.f32 v21, v21;
	v20 =	vadd.f32 v20, v20;
	v22 =	vmax.f32 v59, v8  }
0x18c: {  	v17 =	vmin.f32 v17, v9;
	v19 =	vmax.f32 v19, v6;
	v18 =	vmin.f32 v18, v7  }
0x18d: {  	v17 =	vsub.f32 v17, v22;
	v18 =	vsub.f32 v18, v19  }
0x18e: {  	v19 =	vmul.f32 v20, v21  }
0x18f: {  	v17 =	vmax.f32 v17, $0.0e+00;
	v18 =	vmax.f32 v18, $0.0e+00  }
0x190: {  	v60 =	vpop (erf);
	v17 =	vmul.f32 v18, v17;
	v18 =	vadd.f32 v19, v5  }
0x191: {  	v19 =	vadd.f32 $1.000000000e+00, v60  }
0x192: {  	v61 =	vpop (erf);
	v18 =	vsub.f32 v18, v17  }
0x193: {  	v20 =	vadd.f32 $1.000000000e+00, v61;
	(erf) = vrcp.f32 v19  }
0x194: {  	(erf) = vrcp.f32 v18  }
0x195: {  	(erf) = vrcp.f32 v20;
	_ =	sdelay $0x6  }
0x196: {  	v18 =	vpop (erf)  }
0x197: {  	s20 =	sadd.s32 $0x1, s20;
	v19 =	vld [tilespmem:$0x8780];
	v62 =	vpop (erf)  }
0x198: {  	p0 =	sne.s32 s20, $0x3;
	v17 =	vmul.f32 v62, v17;
	v63 =	vpop (erf)  }
.Ltmp3:
0x199: {  	v18 =	vmul.f32 v63, v18;
	(pc) =	sbr.rel @p0 .LBB2_6-.Ltmp3, $4  }
0x19a: {  	vm15 =	vge.f32 v17, v4  }
0x19b: {  	v17 =	vnsel vm15, $0x0, v18  }
0x19c: {  	v17 =	vmax.f32 v19, v17  }
0x19d: {  	[tilespmem:$0x8780] =	vst v17  }
0x19e: {  	s19 =	simm.s32 $0x0  }
0x19f: {  	v17 =	vor.u32 s19, v3  }
0x1a0: {  	vm0 =	vlt.s32 v17, $0x12B  }
0x1a1: {  	v10 =	vnsel vm0, $0x12B, v17  }
0x1a2: {  	v11 =	vmul.u32 $0x55, v10;
	_ =	sdelay $0x1  }
0x1a3: {  	v14 =	vadd.s32 v0, v11  }
0x1a4: {  	v13 =	vld [tilespmem:$0x8680];
	[tilespmem:s19], [sflag:$0x1] =	stream.linear.gather [hbm4b:s11+s19], $0x63A0, $0x38;
	v11 =	vadd.s32 $0x1, v14  }
0x1a5: {  	_ =	swait.ge [sflag:s15], $0x63A0  }
0x1a6: {  	[sflag:s15] =	ssyncset.done $0x0  }
0x1a7: {  	[sflag:s15] =	ssyncadd.s32 $0xFFFF9C60  }
0x1a8: {  	v15 =	vld.idx.msk [tilespmem:v14+s2+$0x0], $0xffff  }
0x1a9: {  	v12 =	vadd.s32 $0x2, v14;
	v11 =	vld.idx.msk [tilespmem:v11+s2+$0x0], $0xffff  }
0x1aa: {  	v16 =	vadd.s32 $0x3, v14;
	_ =	sdelay $0x2  }
0x1ab: {  	v15 =	vsub.f32 $0.0e+00, v15  }
0x1ac: {  	v12 =	vld.idx.msk [tilespmem:v12+s2+$0x0], $0xffff;
	v11 =	vsub.f32 $0.0e+00, v11  }
0x1ad: {  	v16 =	vld.idx.msk [tilespmem:v16+s2+$0x0], $0xffff;
	v15 =	vmul.f32 $1.442695020e+00, v15  }
0x1ae: {  	v11 =	vmul.f32 $1.442695020e+00, v11  }
0x1af: {  	(erf) = vpow2.f32 v15  }
0x1b0: {  	(erf) = vpow2.f32 v11  }
0x1b1: {  	v12 =	vsub.f32 $0.0e+00, v12  }
0x1b2: {  	v15 =	vsub.f32 $0.0e+00, v16  }
0x1b3: {  	v11 =	vmul.f32 $1.442695020e+00, v12  }
0x1b4: {  	v20 =	vadd.s32 $0x4, v14;
	v12 =	vmul.f32 $1.442695020e+00, v15  }
0x1b5: {  	v10 =	vadd.s32 v1, v10;
	(erf) = vpow2.f32 v11  }
0x1b6: {  	v18 =	vcvt.s32.f32 v10;
	(erf) = vpow2.f32 v12  }
0x1b7: {  	v23 =	vadd.s32 $0x5, v14  }
0x1b8: {  	v10 =	vmul.f32 $5.000000070e-02, v18;
	v11 =	vpop (erf)  }
0x1b9: {  	v20 =	vld.idx.msk [tilespmem:v20+s2+$0x0], $0xffff;
	v12 =	vpop (erf)  }
0x1ba: {  	v10 =	vtrunc.f32 v10;
	v12 =	vadd.f32 $1.000000000e+00, v12  }
0x1bb: {  	v19 =	vcvt.f32.s32 v10;
	v11 =	vadd.f32 $1.000000000e+00, v11  }
0x1bc: {  	v23 =	vld.idx.msk [tilespmem:v23+s2+$0x0], $0xffff  }
0x1bd: {  	v15 =	vcvt.s32.f32 v19;
	(erf) = vrcp.f32 v11  }
0x1be: {  	v20 =	vsub.f32 $0.0e+00, v20;
	(erf) = vrcp.f32 v12;
	v12 =	vpop (erf)  }
0x1bf: {  	v21 =	vmul.f32 $5.000000070e-02, v15;
	v16 =	vadd.f32 $1.000000000e+00, v12;
	v22 =	vpop (erf)  }
0x1c0: {  	v10 =	vbroadcast v13, $0x3;
	v20 =	vmul.f32 $1.442695020e+00, v20;
	v14 =	vadd.f32 $1.000000000e+00, v22  }
0x1c1: {  	v23 =	vsub.f32 $0.0e+00, v23;
	v21 =	vtrunc.f32 v21;
	(erf) = vrcp.f32 v16  }
0x1c2: {  	v21 =	vcvt.f32.s32 v21;
	(erf) = vrcp.f32 v14  }
0x1c3: {  	v23 =	vmul.f32 $1.442695020e+00, v23;
	v52 =	vmul.f32 $-2.000000000e+01, v15  }
0x1c4: {  	vm15 =	veq.s32 v21, $0x1;
	vm1 =	veq.s32 v21, $0x2;
	v21 =	vmul.u32 $0xFFFFFFEC, v21  }
0x1c5: {  	v15 =	vbroadcast v13, $0x6;
	v11 =	vbroadcast v13, $0x1  }
0x1c6: {  	v18 =	vadd.f32 v52, v18;
	v19 =	vadd.s32 v19, v21;
	v12 =	vbroadcast v13, $0x5;
	v25 =	vpop (erf)  }
0x1c7: {  	v53 =	vsel vm15, v10, v11;
	v16 =	vbroadcast v13, $0x2;
	v25 =	vadd.f32 v25, v25;
	v26 =	vpop (erf)  }
0x1c8: {  	v22 =	vsel vm1, v12, v53;
	v14 =	vbroadcast v13, $0x4;
	v26 =	vadd.f32 v26, v26  }
0x1c9: {  	v19 =	vcvt.s32.f32 v19;
	v22 =	vadd.f32 v22, v22;
	v54 =	vadd.f32 $-5.000000000e-01, v25  }
0x1ca: {  	v13 =	vbroadcast v13, $0x0;
	v24 =	vsel vm15, v14, v16;
	v55 =	vadd.f32 $-5.000000000e-01, v26;
	v56 =	vpop (erf)  }
0x1cb: {  	v24 =	vsel vm1, v15, v24;
	v18 =	vadd.f32 v54, v18;
	v57 =	vmul.f32 v56, v56;
	v58 =	vpop (erf)  }
0x1cc: {  	v24 =	vadd.f32 v24, v24;
	v19 =	vadd.f32 v19, v55;
	v59 =	vmul.f32 v58, v58  }
0x1cd: {  	v18 =	vmul.f32 v18, v13;
	v21 =	vmul.f32 v57, v22  }
0x1ce: {  	v19 =	vmul.f32 v19, v13;
	v60 =	vmul.f32 v59, v24  }
0x1cf: {  	(erf) = vpow2.f32 v20;
	v61 =	vsub.f32 v18, v21;
	v18 =	vadd.f32 v21, v18  }
0x1d0: {  	(erf) = vpow2.f32 v23;
	v20 =	vsub.f32 v19, v60;
	v19 =	vadd.f32 v60, v19  }
0x1d1: {  	v21 =	vadd.f32 v21, v21;
	v22 =	vadd.f32 v60, v60;
	v62 =	vmax.f32 v61, v8  }
0x1d2: {  	v18 =	vmin.f32 v18, v9;
	v20 =	vmax.f32 v20, v6;
	v19 =	vmin.f32 v19, v7  }
0x1d3: {  	v18 =	vsub.f32 v18, v62;
	v19 =	vsub.f32 v19, v20  }
0x1d4: {  	v20 =	vmul.f32 v22, v21  }
0x1d5: {  	v18 =	vmax.f32 v18, $0.0e+00;
	v19 =	vmax.f32 v19, $0.0e+00  }
0x1d6: {  	v19 =	vmul.f32 v19, v18;
	v18 =	vadd.f32 v20, v5;
	_ =	sdelay $0x1  }
0x1d7: {  	v20 =	vpop (erf);
	v18 =	vsub.f32 v18, v19  }
0x1d8: {  	v20 =	vadd.f32 $1.000000000e+00, v20;
	v63 =	vpop (erf)  }
0x1d9: {  	v21 =	vadd.f32 $1.000000000e+00, v63;
	(erf) = vrcp.f32 v18  }
0x1da: {  	(erf) = vrcp.f32 v20  }
0x1db: {  	(erf) = vrcp.f32 v21;
	_ =	sdelay $0x3  }
0x1dc: {  	s31 =	simm.s32 $0x10  }
0x1dd: {  	s19 =	simm.s32 $0x20;
	v18 =	vor.u32 s31, v3  }
.LBB2_10:
0x1de: {  	p0 =	sne.s32 s19, $0x120;
	vm0 =	vlt.s32 v18, $0x12B  }
0x1df: {  	v20 =	vnsel vm0, $0x12B, v18;
	v21 =	vpop (erf)  }
0x1e0: {  	v22 =	vmul.u32 $0x55, v20;
	v19 =	vmul.f32 v21, v19;
	v21 =	vld [tilespmem:$0x8780];
	v23 =	vpop (erf)  }
0x1e1: {  	vm0 =	vlt.u32 v17, $0x12C;
	v17 =	vmov v18;
	v24 =	vpop (erf)  }
0x1e2: {  	v18 =	vadd.s32 v0, v22;
	vm1 =	vge.f32 v19, v4;
	v19 =	vmul.f32 v24, v23  }
0x1e3: {  	v22 =	vadd.s32 $0x1, v18;
	vm0 =	vmand vm0, vm1  }
0x1e4: {  	v19 =	vnsel vm0, $0x0, v19  }
0x1e5: {  	v19 =	vmax.f32 v21, v19  }
0x1e6: {  	v21 =	vadd.s32 $0x2, v18;
	[tilespmem:$0x8780] =	vst v19  }
0x1e7: {  	v23 =	vadd.s32 $0x3, v18;
	v19 =	vld.idx.msk [tilespmem:v18+s2+$0x0], $0xffff  }
0x1e8: {  	v22 =	vld.idx.msk [tilespmem:v22+s2+$0x0], $0xffff;
	_ =	sdelay $0x2  }
0x1e9: {  	v21 =	vld.idx.msk [tilespmem:v21+s2+$0x0], $0xffff  }
0x1ea: {  	v23 =	vld.idx.msk [tilespmem:v23+s2+$0x0], $0xffff  }
0x1eb: {  	v19 =	vsub.f32 $0.0e+00, v19  }
0x1ec: {  	v22 =	vsub.f32 $0.0e+00, v22  }
0x1ed: {  	v19 =	vmul.f32 $1.442695020e+00, v19  }
0x1ee: {  	v22 =	vmul.f32 $1.442695020e+00, v22  }
0x1ef: {  	v21 =	vsub.f32 $0.0e+00, v21;
	(erf) = vpow2.f32 v19  }
0x1f0: {  	v19 =	vsub.f32 $0.0e+00, v23;
	(erf) = vpow2.f32 v22  }
0x1f1: {  	v21 =	vmul.f32 $1.442695020e+00, v21  }
0x1f2: {  	v19 =	vmul.f32 $1.442695020e+00, v19  }
0x1f3: {  	v20 =	vadd.s32 v1, v20;
	(erf) = vpow2.f32 v21  }
0x1f4: {  	v20 =	vcvt.s32.f32 v20;
	(erf) = vpow2.f32 v19;
	_ =	sdelay $0x1  }
0x1f5: {  	v19 =	vmul.f32 $5.000000070e-02, v20;
	_ =	sdelay $0x1  }
0x1f6: {  	v19 =	vtrunc.f32 v19;
	v21 =	vpop (erf)  }
0x1f7: {  	v19 =	vcvt.f32.s32 v19;
	v21 =	vadd.f32 $1.000000000e+00, v21;
	v22 =	vpop (erf)  }
0x1f8: {  	v24 =	vadd.f32 $1.000000000e+00, v22  }
0x1f9: {  	v23 =	vcvt.s32.f32 v19;
	(erf) = vrcp.f32 v21  }
0x1fa: {  	v21 =	vadd.s32 $0x4, v18;
	(erf) = vrcp.f32 v24;
	v22 =	vpop (erf)  }
0x1fb: {  	v18 =	vadd.s32 $0x5, v18;
	v24 =	vmul.f32 $5.000000070e-02, v23;
	v22 =	vadd.f32 $1.000000000e+00, v22;
	v25 =	vpop (erf)  }
0x1fc: {  	v25 =	vadd.f32 $1.000000000e+00, v25  }
0x1fd: {  	v24 =	vtrunc.f32 v24;
	(erf) = vrcp.f32 v22  }
0x1fe: {  	v22 =	vcvt.f32.s32 v24;
	(erf) = vrcp.f32 v25  }
0x1ff: {  	v23 =	vmul.f32 $-2.000000000e+01, v23;
	v21 =	vld.idx.msk [tilespmem:v21+s2+$0x0], $0xffff  }
0x200: {  	vm0 =	veq.s32 v22, $0x1;
	v18 =	vld.idx.msk [tilespmem:v18+s2+$0x0], $0xffff  }
0x201: {  	v20 =	vadd.f32 v23, v20;
	vm1 =	veq.s32 v22, $0x2;
	v23 =	vsel vm0, v10, v11  }
0x202: {  	v22 =	vmul.u32 $0xFFFFFFEC, v22;
	v24 =	vsel vm0, v14, v16;
	v23 =	vsel vm1, v12, v23;
	v25 =	vpop (erf)  }
0x203: {  	v24 =	vsel vm1, v15, v24;
	v23 =	vadd.f32 v23, v23;
	v25 =	vadd.f32 v25, v25;
	v26 =	vpop (erf)  }
0x204: {  	v24 =	vadd.f32 v24, v24;
	v27 =	vadd.f32 v26, v26  }
0x205: {  	v19 =	vadd.s32 v19, v22;
	v21 =	vsub.f32 $0.0e+00, v21;
	v22 =	vadd.f32 $-5.000000000e-01, v25  }
0x206: {  	v19 =	vcvt.s32.f32 v19;
	v18 =	vsub.f32 $0.0e+00, v18;
	v25 =	vadd.f32 $-5.000000000e-01, v27;
	v26 =	vpop (erf)  }
0x207: {  	v21 =	vmul.f32 $1.442695020e+00, v21;
	v20 =	vadd.f32 v22, v20;
	v22 =	vmul.f32 v26, v26;
	v26 =	vpop (erf)  }
0x208: {  	v18 =	vmul.f32 $1.442695020e+00, v18;
	v19 =	vadd.f32 v19, v25;
	v25 =	vmul.f32 v26, v26  }
0x209: {  	v20 =	vmul.f32 v20, v13;
	v22 =	vmul.f32 v22, v23  }
0x20a: {  	v19 =	vmul.f32 v19, v13;
	v23 =	vmul.f32 v25, v24  }
0x20b: {  	v24 =	vsub.f32 v20, v22;
	v20 =	vadd.f32 v22, v20;
	(erf) = vpow2.f32 v21  }
0x20c: {  	v21 =	vsub.f32 v19, v23;
	v19 =	vadd.f32 v23, v19;
	(erf) = vpow2.f32 v18  }
0x20d: {  	v22 =	vadd.f32 v22, v22;
	v18 =	vmax.f32 v24, v8;
	v20 =	vmin.f32 v20, v9  }
0x20e: {  	v23 =	vadd.f32 v23, v23;
	v21 =	vmax.f32 v21, v6;
	v19 =	vmin.f32 v19, v7  }
0x20f: {  	v18 =	vsub.f32 v20, v18;
	v19 =	vsub.f32 v19, v21  }
0x210: {  	v20 =	vmul.f32 v23, v22  }
0x211: {  	v18 =	vmax.f32 v18, $0.0e+00;
	v19 =	vmax.f32 v19, $0.0e+00  }
0x212: {  	v19 =	vmul.f32 v19, v18;
	v18 =	vadd.f32 v20, v5;
	_ =	sdelay $0x1  }
0x213: {  	v18 =	vsub.f32 v18, v19;
	v20 =	vpop (erf)  }
0x214: {  	v20 =	vadd.f32 $1.000000000e+00, v20;
	v21 =	vpop (erf)  }
0x215: {  	v21 =	vadd.f32 $1.000000000e+00, v21;
	(erf) = vrcp.f32 v18  }
0x216: {  	(erf) = vrcp.f32 v20  }
0x217: {  	(erf) = vrcp.f32 v21  }
.Ltmp4:
0x218: {  	(pc) =	sbr.rel @p0 .LBB2_10-.Ltmp4, $2  }
0x219: {  	_ =	sdelay $0x2  }
0x21a: {  	v18 =	vor.u32 s19, v3;
	s19 =	sadd.s32 $0x10, s19  }
0x21b: {  	vm0 =	vlt.s32 v18, $0x12B  }
0x21c: {  	v20 =	vnsel vm0, $0x12B, v18;
	v21 =	vpop (erf)  }
0x21d: {  	v33 =	vld [tilespmem:$0x8780];
	v22 =	vmul.u32 $0x55, v20;
	v19 =	vmul.f32 v21, v19;
	v23 =	vpop (erf)  }
0x21e: {  	vm11 =	vlt.u32 v17, $0x12C;
	v34 =	vpop (erf)  }
0x21f: {  	v22 =	vadd.s32 v0, v22;
	vm1 =	vge.f32 v19, v4;
	v17 =	vmul.f32 v34, v23  }
0x220: {  	v35 =	vadd.s32 $0x1, v22;
	vm0 =	vmand vm11, vm1  }
0x221: {  	v17 =	vnsel vm0, $0x0, v17  }
0x222: {  	v17 =	vmax.f32 v33, v17  }
0x223: {  	v36 =	vadd.s32 $0x2, v22;
	[tilespmem:$0x8780] =	vst v17  }
0x224: {  	v37 =	vadd.s32 $0x3, v22;
	v17 =	vld.idx.msk [tilespmem:v22+s2+$0x0], $0xffff  }
0x225: {  	v19 =	vld.idx.msk [tilespmem:v35+s2+$0x0], $0xffff;
	_ =	sdelay $0x2  }
0x226: {  	v21 =	vld.idx.msk [tilespmem:v36+s2+$0x0], $0xffff  }
0x227: {  	v23 =	vld.idx.msk [tilespmem:v37+s2+$0x0], $0xffff;
	v17 =	vsub.f32 $0.0e+00, v17  }
0x228: {  	v19 =	vsub.f32 $0.0e+00, v19  }
0x229: {  	v17 =	vmul.f32 $1.442695020e+00, v17  }
0x22a: {  	v19 =	vmul.f32 $1.442695020e+00, v19  }
0x22b: {  	v21 =	vsub.f32 $0.0e+00, v21;
	(erf) = vpow2.f32 v17  }
0x22c: {  	v38 =	vsub.f32 $0.0e+00, v23;
	(erf) = vpow2.f32 v19  }
0x22d: {  	v39 =	vmul.f32 $1.442695020e+00, v21  }
0x22e: {  	v17 =	vmul.f32 $1.442695020e+00, v38  }
0x22f: {  	(erf) = vpow2.f32 v39  }
0x230: {  	v20 =	vadd.s32 v1, v20;
	(erf) = vpow2.f32 v17  }
0x231: {  	v40 =	vcvt.s32.f32 v20;
	_ =	sdelay $0x1  }
0x232: {  	v41 =	vmul.f32 $5.000000070e-02, v40  }
0x233: {  	v46 =	vadd.s32 $0x4, v22;
	v42 =	vpop (erf)  }
0x234: {  	v22 =	vadd.s32 $0x5, v22;
	v17 =	vtrunc.f32 v41;
	v20 =	vadd.f32 $1.000000000e+00, v42;
	v43 =	vpop (erf)  }
0x235: {  	v17 =	vcvt.f32.s32 v17;
	v21 =	vadd.f32 $1.000000000e+00, v43  }
0x236: {  	(erf) = vrcp.f32 v20  }
0x237: {  	v44 =	vcvt.s32.f32 v17;
	v45 =	vpop (erf);
	(erf) = vrcp.f32 v21  }
0x238: {  	v20 =	vadd.f32 $1.000000000e+00, v45;
	v25 =	vpop (erf)  }
0x239: {  	v22 =	vld.idx.msk [tilespmem:v22+s2+$0x0], $0xffff;
	v24 =	vmul.f32 $5.000000070e-02, v44;
	v25 =	vadd.f32 $1.000000000e+00, v25  }
0x23a: {  	(erf) = vrcp.f32 v20  }
0x23b: {  	v24 =	vtrunc.f32 v24;
	(erf) = vrcp.f32 v25  }
0x23c: {  	v23 =	vmul.f32 $-2.000000000e+01, v44;
	v47 =	vcvt.f32.s32 v24;
	_ =	sdelay $0x1  }
0x23d: {  	v53 =	vsub.f32 $0.0e+00, v22;
	v19 =	vadd.f32 v23, v40;
	v21 =	vld.idx.msk [tilespmem:v46+s2+$0x0], $0xffff;
	vm12 =	veq.s32 v47, $0x1  }
0x23e: {  	vm13 =	veq.s32 v47, $0x2;
	v48 =	vmul.u32 $0xFFFFFFEC, v47;
	v10 =	vsel vm12, v10, v11;
	v50 =	vpop (erf)  }
0x23f: {  	v49 =	vsel vm12, v14, v16;
	v10 =	vsel vm13, v12, v10;
	v14 =	vadd.f32 v50, v50;
	v51 =	vpop (erf)  }
0x240: {  	v12 =	vsel vm13, v15, v49;
	v11 =	vadd.s32 v17, v48;
	v15 =	vadd.f32 v51, v51  }
0x241: {  	v17 =	vmul.f32 $1.442695020e+00, v53;
	v10 =	vadd.f32 v10, v10;
	v14 =	vadd.f32 $-5.000000000e-01, v14  }
0x242: {  	v11 =	vcvt.s32.f32 v11;
	v52 =	vsub.f32 $0.0e+00, v21;
	v54 =	vpop (erf);
	v15 =	vadd.f32 $-5.000000000e-01, v15  }
0x243: {  	v12 =	vadd.f32 v12, v12;
	v55 =	vmul.f32 v54, v54;
	v56 =	vpop (erf);
	v14 =	vadd.f32 v14, v19  }
0x244: {  	v16 =	vmul.f32 $1.442695020e+00, v52;
	v57 =	vmul.f32 v56, v56;
	v11 =	vadd.f32 v11, v15  }
0x245: {  	v10 =	vmul.f32 v55, v10;
	v14 =	vmul.f32 v14, v13  }
0x246: {  	v12 =	vmul.f32 v57, v12;
	v11 =	vmul.f32 v11, v13  }
0x247: {  	(erf) = vpow2.f32 v16;
	v58 =	vsub.f32 v14, v10;
	v14 =	vadd.f32 v10, v14  }
0x248: {  	(erf) = vpow2.f32 v17;
	v15 =	vsub.f32 v11, v12;
	v11 =	vadd.f32 v12, v11  }
0x249: {  	v59 =	vadd.f32 v12, v12;
	v10 =	vadd.f32 v10, v10;
	v8 =	vmax.f32 v58, v8  }
0x24a: {  	v9 =	vmin.f32 v14, v9;
	v6 =	vmax.f32 v15, v6;
	v7 =	vmin.f32 v11, v7  }
0x24b: {  	v8 =	vsub.f32 v9, v8;
	v6 =	vsub.f32 v7, v6  }
0x24c: {  	v60 =	vmul.f32 v59, v10  }
0x24d: {  	v8 =	vmax.f32 v8, $0.0e+00;
	v6 =	vmax.f32 v6, $0.0e+00  }
0x24e: {  	v5 =	vadd.f32 v60, v5;
	v6 =	vmul.f32 v6, v8;
	_ =	sdelay $0x1  }
0x24f: {  	v61 =	vpop (erf);
	v5 =	vsub.f32 v5, v6  }
0x250: {  	v62 =	vpop (erf);
	v7 =	vadd.f32 $1.000000000e+00, v61  }
0x251: {  	v8 =	vadd.f32 $1.000000000e+00, v62;
	(erf) = vrcp.f32 v5  }
0x252: {  	(erf) = vrcp.f32 v7  }
0x253: {  	(erf) = vrcp.f32 v8;
	_ =	sdelay $0x6  }
0x254: {  	v5 =	vpop (erf)  }
0x255: {  	v63 =	vld [tilespmem:$0x8780];
	v5 =	vmul.f32 v5, v6;
	v7 =	vpop (erf)  }
0x256: {  	v8 =	vpop (erf)  }
0x257: {  	vm14 =	vlt.u32 v18, $0x12C;
	vm15 =	vge.f32 v5, v4;
	v4 =	vmul.f32 v8, v7  }
0x258: {  	vm0 =	vmand vm14, vm15  }
0x259: {  	s18 =	sadd.s32 $0x1, s18;
	v4 =	vnsel vm0, $0x0, v4  }
0x25a: {  	p0 =	sne.s32 s18, s13;
	v4 =	vmax.f32 v63, v4  }
.Ltmp5:
0x25b: {  	[tilespmem:$0x8780] =	vst v4;
	(pc) =	sbr.rel @p0 .LBB2_1-.Ltmp5, $4  }
0x25c: {  	[hbm4b:s12+s2] =	stream.linear.scatter [tilespmem:s17], [sflag:$0x1], $0x80, $0x38;
	[tilespmem:$0x8800] =	vst v63  }
0x25d: {  	_ =	swait.ge [sflag:s15], $0x80  }
0x25e: {  	[sflag:s15] =	ssyncset.done $0x0  }
0x25f: {  	[sflag:s15] =	ssyncadd.s32 $0xFFFFFF80  }
0x260: {  	_ =	sfence.sel $0x180000  }
0x261: {  	[bflag:$0x0] =	sbarrier.arrive $0xFFFF  }
0x262: {  	p0 =	sne.s32 s1, $0x0;
	_ =	strace $0x90000047  }
0x263: {  	s0 =	sadd.s32 @!p0 $0x100000, s0;
	[bflag:$0x2] =	sbarrier.arrive $0xFFFF  }
0x264: {  	[sflag:s0] =	ssyncadd.tile.s32 @!p0 $0x1;
	_ =	shalt  }
.Lfunc_end2:
_tile_overlayer_lowered:
.L_overlay_start_2:
0x265: {  	(tag) =	ssettag $0x2  }
0x266: {  	s0 =	rddreg [dreg:$0x0];
	s2 =	stileid.u32  }
0x267: {  	s1 =	rddreg [dreg:$0x1];
	p0 =	sne.s32 s2, $0x0  }
0x268: {  	s3 =	rddreg [dreg:$0x2];
	[bflag:$0x3] =	sbarrier.arrive $0xFFFF;
	s2 =	simm.s32 @!p0 $0x1C01  }
0x269: {  	[timem:s3], [sflag:s2] =	dma.local @!p0 [hbm:s0], s1  }
0x26a: {  	s0 =	simm.s32 @!p0 $0x1  }
0x26b: {  	_ =	swait.ge @!p0 [sflag:s0], s1  }
0x26c: {  	s1 =	ssub.s32 @!p0 $0x0, s1;
	[sflag:s0] =	ssyncset.done @!p0 $0x0  }
0x26d: {  	[sflag:s0] =	ssyncadd.s32 @!p0 s1  }
0x26e: {  	[bflag:$0x3] =	sbarrier.arrive $0xFFFF  }
0x26f: {  	_ =	shalt  }

</sc_bundles>
